<compile_context>
chip_gen: v7x
topology: tpu7x:2x2x1
jax: 0.10.2.dev20260603
libtpu: 0.0.44.dev20260713+nightly
codegen_flags: <defaults>
</compile_context>

<pallas_src>
import functools

import jax
import jax.numpy as jnp
import numpy as np
from jax.experimental import pallas as pl
from jax.experimental.pallas import tpu as pltpu

ALPHA = 3.0
TOPK = 64


def _rotl(x, r):
    return jnp.left_shift(x, r) | jax.lax.shift_right_logical(x, 32 - r)


def _threefry_bits(p):
    ks0 = np.int32(0)
    ks1 = np.int32(42)
    ks2 = np.int32((0 ^ 42 ^ 0x1BD11BDA) & 0xFFFFFFFF)
    rot_a = (13, 15, 26, 6)
    rot_b = (17, 29, 16, 24)

    x0 = jnp.zeros_like(p) + ks0
    x1 = p + ks1

    def rounds(x0, x1, rots):
        for r in rots:
            x0 = x0 + x1
            x1 = _rotl(x1, r)
            x1 = x0 ^ x1
        return x0, x1

    x0, x1 = rounds(x0, x1, rot_a)
    x0 = x0 + ks1
    x1 = x1 + np.int32(ks2 + 1)
    x0, x1 = rounds(x0, x1, rot_b)
    x0 = x0 + ks2
    x1 = x1 + np.int32(ks0 + 2)
    x0, x1 = rounds(x0, x1, rot_a)
    x0 = x0 + ks0
    x1 = x1 + np.int32(ks1 + 3)
    x0, x1 = rounds(x0, x1, rot_b)
    x0 = x0 + ks1
    x1 = x1 + np.int32(ks2 + 4)
    x0, x1 = rounds(x0, x1, rot_a)
    x0 = x0 + ks2
    x1 = x1 + np.int32(ks0 + 5)
    return x0 ^ x1


def _embed_kernel(e1, e2, w1, w2, b1r, b2r, nvcat, *, dim):
    f32 = jnp.float32
    dot = jax.lax.dot_general
    dn_nt = (((1,), (1,)), ((), ()))

    x1 = jnp.tanh(ALPHA * (dot(e1[...], w1[...], dn_nt, preferred_element_type=f32) + b1r[...]))
    x2 = jnp.tanh(ALPHA * (dot(e2[...], w2[...], dn_nt, preferred_element_type=f32) + b2r[...]))
    nvcat[:, :dim] = x1
    nvcat[:, dim:] = x2


def _embed_t_kernel(e1, e2, w1, w2, b1c, b2c, wbig, *, dim):
    f32 = jnp.float32
    dot = jax.lax.dot_general
    dn_nt = (((1,), (1,)), ((), ()))

    x1t = jnp.tanh(ALPHA * (dot(w1[...], e1[...], dn_nt, preferred_element_type=f32) + b1c[...]))
    wbig[dim:, :] = x1t
    x2t = jnp.tanh(ALPHA * (dot(w2[...], e2[...], dn_nt, preferred_element_type=f32) + b2c[...]))
    wbig[:dim, :] = x2t


def _adj_kernel(s10_ref, nvcat, wbig, out, pert_scr, pflat_scr, *, n, rblk, nbisect):
    f32 = jnp.float32
    i32 = jnp.int32
    g = pl.program_id(0)

    @pl.when(g == 0)
    def _():
        ii = jax.lax.broadcasted_iota(i32, (rblk, n), 0)
        jj = jax.lax.broadcasted_iota(i32, (rblk, n), 1)
        pflat_scr[...] = ii * n + jj

    z = nvcat[...]
    s = 0.5 * jax.lax.dot_general(
        z, wbig[...], (((1,), (0,)), ((), ())), preferred_element_type=f32)

    adj = jnp.maximum(s, 0.0) + jnp.log1p(jnp.exp(-jnp.abs(s))) - 0.5
    out[...] = adj

    p = pflat_scr[...] + g * (rblk * n)
    bits = _threefry_bits(p)
    fbits = jax.lax.shift_right_logical(bits, 9) | np.int32(0x3F800000)
    u = jax.lax.bitcast_convert_type(fbits, f32) - 1.0
    noise = -jnp.log(-jnp.log(u + 1e-10) + 1e-10)
    pert = adj + noise
    pert_scr[...] = pert

    hi = jnp.max(pert, axis=1, keepdims=True)
    lo = jnp.full((rblk, 1), -3.7, dtype=f32)

    def body(_, carry):
        lo, hi = carry
        mid = 0.5 * (lo + hi)
        cnt = jnp.sum((pert_scr[...] >= mid).astype(f32), axis=1, keepdims=True)
        big = cnt >= float(TOPK)
        return jnp.where(big, mid, lo), jnp.where(big, hi, mid)

    lo, hi = jax.lax.fori_loop(0, nbisect, body, (lo, hi))
    thr = lo

    s10 = s10_ref[0, 0]
    mask = 1.0 / (1.0 + jnp.exp(-(pert_scr[...] - thr) * s10))
    out[...] = jnp.maximum(out[...] * mask, 0.0)


def _pick_rblk(n):
    best = 8
    for r in range(8, 81, 8):
        if n % r == 0:
            best = r
    return best


@functools.partial(jax.jit, static_argnames=())
def kernel(idx, emb1, emb2, W1, b1, W2, b2, temperature):
    n, dim = emb1.shape
    f32 = jnp.float32

    e1 = jnp.take(emb1, idx, axis=0)
    e2 = jnp.take(emb2, idx, axis=0)

    nb = n // 10 if n % 10 == 0 else n
    nvcat = pl.pallas_call(
        functools.partial(_embed_kernel, dim=dim),
        grid=(n // nb,),
        in_specs=[
            pl.BlockSpec((nb, dim), lambda g: (g, 0)),
            pl.BlockSpec((nb, dim), lambda g: (g, 0)),
            pl.BlockSpec((dim, dim), lambda g: (0, 0)),
            pl.BlockSpec((dim, dim), lambda g: (0, 0)),
            pl.BlockSpec((1, dim), lambda g: (0, 0)),
            pl.BlockSpec((1, dim), lambda g: (0, 0)),
        ],
        out_specs=pl.BlockSpec((nb, 2 * dim), lambda g: (g, 0)),
        out_shape=jax.ShapeDtypeStruct((n, 2 * dim), f32),
    )(e1, e2, W1, W2, b1.reshape(1, dim), b2.reshape(1, dim))

    wbig = pl.pallas_call(
        functools.partial(_embed_t_kernel, dim=dim),
        in_specs=[
            pl.BlockSpec((n, dim), lambda: (0, 0)),
            pl.BlockSpec((n, dim), lambda: (0, 0)),
            pl.BlockSpec((dim, dim), lambda: (0, 0)),
            pl.BlockSpec((dim, dim), lambda: (0, 0)),
            pl.BlockSpec((dim, 1), lambda: (0, 0)),
            pl.BlockSpec((dim, 1), lambda: (0, 0)),
        ],
        out_specs=pl.BlockSpec((2 * dim, n), lambda: (0, 0)),
        out_shape=jax.ShapeDtypeStruct((2 * dim, n), f32),
    )(e1, e2, W1, W2, b1.reshape(dim, 1), b2.reshape(dim, 1))

    rblk = _pick_rblk(n)
    s10 = (10.0 / temperature.astype(f32)).reshape(1, 1)
    out = pl.pallas_call(
        functools.partial(_adj_kernel, n=n, rblk=rblk, nbisect=14),
        grid=(n // rblk,),
        in_specs=[
            pl.BlockSpec(memory_space=pltpu.SMEM),
            pl.BlockSpec((rblk, 2 * dim), lambda g: (g, 0)),
            pl.BlockSpec((2 * dim, n), lambda g: (0, 0)),
        ],
        out_specs=pl.BlockSpec((rblk, n), lambda g: (g, 0)),
        out_shape=jax.ShapeDtypeStruct((n, n), f32),
        scratch_shapes=[
            pltpu.VMEM((rblk, n), f32),
            pltpu.VMEM((rblk, n), jnp.int32),
        ],
    )(s10, nvcat, wbig)
    return out

# --- scband reference (transcript-rebuilt; emitter-appended) ---
"""Pipeline reference for scband-improved-graph-constructor-67267777790102 (READ-ONLY COPY).

The authoritative reference and input builder live on the scoring server;
editing this copy changes nothing except your own understanding.
"""

import jax, jax.numpy as jnp
import numpy as np

N = 10000
DIM = 128
K = 64
ALPHA = 3.0


def setup_inputs(seed: int = 0) -> dict:
    key = jax.random.key(seed)
    ks = jax.random.split(key, 6)
    idx = jnp.arange(N, dtype=jnp.int32)
    emb1 = jax.random.normal(ks[0], (N, DIM), dtype=jnp.float32)
    emb2 = jax.random.normal(ks[1], (N, DIM), dtype=jnp.float32)
    s = 1.0 / np.sqrt(DIM)
    W1 = jax.random.uniform(ks[2], (DIM, DIM), dtype=jnp.float32, minval=-s, maxval=s)
    b1 = jax.random.uniform(ks[3], (DIM,), dtype=jnp.float32, minval=-s, maxval=s)
    W2 = jax.random.uniform(ks[4], (DIM, DIM), dtype=jnp.float32, minval=-s, maxval=s)
    b2 = jax.random.uniform(ks[5], (DIM,), dtype=jnp.float32, minval=-s, maxval=s)
    temperature = jnp.asarray(1.0, dtype=jnp.float32)
    return {"idx": idx, "emb1": emb1, "emb2": emb2, "W1": W1, "b1": b1, "W2": W2, "b2": b2, "temperature": temperature}


def reference(idx, emb1, emb2, W1, b1, W2, b2, temperature):
    # embedding lookups (gather)
    nodevec1 = jnp.take(emb1, idx, axis=0)
    nodevec2 = jnp.take(emb2, idx, axis=0)
    nodevec1 = jnp.tanh(ALPHA * (nodevec1 @ W1.T + b1))
    nodevec2 = jnp.tanh(ALPHA * (nodevec2 @ W2.T + b2))
    a = nodevec1 @ nodevec2.T
    adj = (a + a.T) / 2.0
    adj = jax.nn.softplus(adj) - 0.5
    # gumbel_softmax_topk (training path, hard=False)
    u = jax.random.uniform(jax.random.key(42), adj.shape, dtype=adj.dtype)
    gumbel_noise = -jnp.log(-jnp.log(u + 1e-10) + 1e-10)
    perturbed = (adj + gumbel_noise) / temperature
    topk_values, _ = jax.lax.top_k(perturbed, K)
    threshold = topk_values[..., -1:]
    soft_mask = jax.nn.sigmoid((perturbed - threshold) * 10.0)
    adj = adj * soft_mask
    adj = jax.nn.relu(adj)
    return adj

if __name__ == "__main__":
    import jax
    _d = setup_inputs()
    print(jax.jit(kernel)(*tuple(_d.values())))

</pallas_src>

<mosaic_0001>
module attributes {stable_mosaic.version = 14 : i64} {
  func.func @_embed_t_kernel(%arg0: memref<10000x128xf32, #tpu.memory_space<vmem>>, %arg1: memref<10000x128xf32, #tpu.memory_space<vmem>>, %arg2: memref<128x128xf32, #tpu.memory_space<vmem>>, %arg3: memref<128x128xf32, #tpu.memory_space<vmem>>, %arg4: memref<128x1xf32, #tpu.memory_space<vmem>>, %arg5: memref<128x1xf32, #tpu.memory_space<vmem>>, %arg6: memref<256x10000xf32, #tpu.memory_space<vmem>>) attributes {dimension_semantics = [], scalar_prefetch = 0 : i64, scratch_operands = 0 : i64, tpu.core_type = #tpu.core_type<tc>} {
    %get3A = arith.constant 0 : index
    %get3A_0 = arith.constant 0 : index
    %get3A_1 = vector.load %arg2[%get3A, %get3A_0] : memref<128x128xf32, #tpu.memory_space<vmem>>, vector<128x128xf32>
    %get3A_2 = arith.constant 0 : index
    %get3A_3 = arith.constant 0 : index
    %get3A_4 = vector.load %arg0[%get3A_2, %get3A_3] : memref<10000x128xf32, #tpu.memory_space<vmem>>, vector<10000x128xf32>
    %dot_general3A = arith.constant dense<0.000000e+00> : vector<128x10000xf32>
    %dot_general3A_5 = tpu.matmul %get3A_1, %get3A_4, %dot_general3A {dimension_numbers = #tpu.dot_dimension_numbers<[1], [1], [0], [0], [0, 0, 1, 0], [], []>, transpose_lhs_hint = false} : vector<128x128xf32>, vector<10000x128xf32>, vector<128x10000xf32> -> vector<128x10000xf32>
    %get3A_6 = arith.constant 0 : index
    %get3A_7 = arith.constant 0 : index
    %get3A_8 = vector.load %arg4[%get3A_6, %get3A_7] : memref<128x1xf32, #tpu.memory_space<vmem>>, vector<128x1xf32>
    %add3A = vector.broadcast %get3A_8 : vector<128x1xf32> to vector<128x10000xf32>
    %add3A_9 = arith.addf %dot_general3A_5, %add3A : vector<128x10000xf32>
    %mul3A = arith.constant 3.000000e+00 : f32
    %mul3A_10 = vector.broadcast %mul3A : f32 to vector<128x10000xf32>
    %mul3A_11 = arith.mulf %mul3A_10, %add3A_9 : vector<128x10000xf32>
    %tanh3A = math.tanh %mul3A_11 : vector<128x10000xf32>
    %swap3A = arith.constant 128 : index
    %swap3A_12 = arith.constant 0 : index
    %swap3A_13 = vector.load %arg6[%swap3A, %swap3A_12] : memref<256x10000xf32, #tpu.memory_space<vmem>>, vector<128x10000xf32>
    tpu.vector_store %arg6[%swap3A, %swap3A_12], %tanh3A {strides = array<i32>} : memref<256x10000xf32, #tpu.memory_space<vmem>>, vector<128x10000xf32>,
    %get3A_14 = arith.constant 0 : index
    %get3A_15 = arith.constant 0 : index
    %get3A_16 = vector.load %arg3[%get3A_14, %get3A_15] : memref<128x128xf32, #tpu.memory_space<vmem>>, vector<128x128xf32>
    %get3A_17 = arith.constant 0 : index
    %get3A_18 = arith.constant 0 : index
    %get3A_19 = vector.load %arg1[%get3A_17, %get3A_18] : memref<10000x128xf32, #tpu.memory_space<vmem>>, vector<10000x128xf32>
    %dot_general3A_20 = arith.constant dense<0.000000e+00> : vector<128x10000xf32>
    %dot_general3A_21 = tpu.matmul %get3A_16, %get3A_19, %dot_general3A_20 {dimension_numbers = #tpu.dot_dimension_numbers<[1], [1], [0], [0], [0, 0, 1, 0], [], []>, transpose_lhs_hint = false} : vector<128x128xf32>, vector<10000x128xf32>, vector<128x10000xf32> -> vector<128x10000xf32>
    %get3A_22 = arith.constant 0 : index
    %get3A_23 = arith.constant 0 : index
    %get3A_24 = vector.load %arg5[%get3A_22, %get3A_23] : memref<128x1xf32, #tpu.memory_space<vmem>>, vector<128x1xf32>
    %add3A_25 = vector.broadcast %get3A_24 : vector<128x1xf32> to vector<128x10000xf32>
    %add3A_26 = arith.addf %dot_general3A_21, %add3A_25 : vector<128x10000xf32>
    %mul3A_27 = arith.constant 3.000000e+00 : f32
    %mul3A_28 = vector.broadcast %mul3A_27 : f32 to vector<128x10000xf32>
    %mul3A_29 = arith.mulf %mul3A_28, %add3A_26 : vector<128x10000xf32>
    %tanh3A_30 = math.tanh %mul3A_29 : vector<128x10000xf32>
    %swap3A_31 = arith.constant 0 : index
    %swap3A_32 = arith.constant 0 : index
    %swap3A_33 = vector.load %arg6[%swap3A_31, %swap3A_32] : memref<256x10000xf32, #tpu.memory_space<vmem>>, vector<128x10000xf32>
    tpu.vector_store %arg6[%swap3A_31, %swap3A_32], %tanh3A_30 {strides = array<i32>} : memref<256x10000xf32, #tpu.memory_space<vmem>>, vector<128x10000xf32>,
    return
  }
}

module attributes {stable_mosaic.version = 14 : i64} {
  func.func @_embed_kernel(%arg0: i32, %arg1: memref<1000x128xf32, #tpu.memory_space<vmem>>, %arg2: memref<1000x128xf32, #tpu.memory_space<vmem>>, %arg3: memref<128x128xf32, #tpu.memory_space<vmem>>, %arg4: memref<128x128xf32, #tpu.memory_space<vmem>>, %arg5: memref<1x128xf32, #tpu.memory_space<vmem>>, %arg6: memref<1x128xf32, #tpu.memory_space<vmem>>, %arg7: memref<1000x256xf32, #tpu.memory_space<vmem>>) attributes {dimension_semantics = [#tpu.dimension_semantics<arbitrary>], iteration_bounds = array<i64: 10>, scalar_prefetch = 0 : i64, scratch_operands = 0 : i64, tpu.core_type = #tpu.core_type<tc>, window_params = [{transform_indices = @transform_0, window_bounds = array<i64: 1000, 128>}, {transform_indices = @transform_1, window_bounds = array<i64: 1000, 128>}, {pipeline_mode = #tpu.pipeline_mode<synchronous>, transform_indices = @transform_2, window_bounds = array<i64: 128, 128>}, {pipeline_mode = #tpu.pipeline_mode<synchronous>, transform_indices = @transform_3, window_bounds = array<i64: 128, 128>}, {pipeline_mode = #tpu.pipeline_mode<synchronous>, transform_indices = @transform_4, window_bounds = array<i64: 1, 128>}, {pipeline_mode = #tpu.pipeline_mode<synchronous>, transform_indices = @transform_5, window_bounds = array<i64: 1, 128>}, {transform_indices = @transform_6, window_bounds = array<i64: 1000, 256>}]} {
    %get3A = arith.constant 0 : index
    %get3A_0 = arith.constant 0 : index
    %get3A_1 = vector.load %arg1[%get3A, %get3A_0] : memref<1000x128xf32, #tpu.memory_space<vmem>>, vector<1000x128xf32>
    %get3A_2 = arith.constant 0 : index
    %get3A_3 = arith.constant 0 : index
    %get3A_4 = vector.load %arg3[%get3A_2, %get3A_3] : memref<128x128xf32, #tpu.memory_space<vmem>>, vector<128x128xf32>
    %dot_general3A = arith.constant dense<0.000000e+00> : vector<1000x128xf32>
    %dot_general3A_5 = tpu.matmul %get3A_1, %get3A_4, %dot_general3A {dimension_numbers = #tpu.dot_dimension_numbers<[1], [1], [0], [0], [0, 0, 1, 0], [], []>, transpose_lhs_hint = false} : vector<1000x128xf32>, vector<128x128xf32>, vector<1000x128xf32> -> vector<1000x128xf32>
    %get3A_6 = arith.constant 0 : index
    %get3A_7 = arith.constant 0 : index
    %get3A_8 = vector.load %arg5[%get3A_6, %get3A_7] : memref<1x128xf32, #tpu.memory_space<vmem>>, vector<1x128xf32>
    %add3A = vector.broadcast %get3A_8 : vector<1x128xf32> to vector<1000x128xf32>
    %add3A_9 = arith.addf %dot_general3A_5, %add3A : vector<1000x128xf32>
    %mul3A = arith.constant 3.000000e+00 : f32
    %mul3A_10 = vector.broadcast %mul3A : f32 to vector<1000x128xf32>
    %mul3A_11 = arith.mulf %mul3A_10, %add3A_9 : vector<1000x128xf32>
    %tanh3A = math.tanh %mul3A_11 : vector<1000x128xf32>
    %get3A_12 = arith.constant 0 : index
    %get3A_13 = arith.constant 0 : index
    %get3A_14 = vector.load %arg2[%get3A_12, %get3A_13] : memref<1000x128xf32, #tpu.memory_space<vmem>>, vector<1000x128xf32>
    %get3A_15 = arith.constant 0 : index
    %get3A_16 = arith.constant 0 : index
    %get3A_17 = vector.load %arg4[%get3A_15, %get3A_16] : memref<128x128xf32, #tpu.memory_space<vmem>>, vector<128x128xf32>
    %dot_general3A_18 = arith.constant dense<0.000000e+00> : vector<1000x128xf32>
    %dot_general3A_19 = tpu.matmul %get3A_14, %get3A_17, %dot_general3A_18 {dimension_numbers = #tpu.dot_dimension_numbers<[1], [1], [0], [0], [0, 0, 1, 0], [], []>, transpose_lhs_hint = false} : vector<1000x128xf32>, vector<128x128xf32>, vector<1000x128xf32> -> vector<1000x128xf32>
    %get3A_20 = arith.constant 0 : index
    %get3A_21 = arith.constant 0 : index
    %get3A_22 = vector.load %arg6[%get3A_20, %get3A_21] : memref<1x128xf32, #tpu.memory_space<vmem>>, vector<1x128xf32>
    %add3A_23 = vector.broadcast %get3A_22 : vector<1x128xf32> to vector<1000x128xf32>
    %add3A_24 = arith.addf %dot_general3A_19, %add3A_23 : vector<1000x128xf32>
    %mul3A_25 = arith.constant 3.000000e+00 : f32
    %mul3A_26 = vector.broadcast %mul3A_25 : f32 to vector<1000x128xf32>
    %mul3A_27 = arith.mulf %mul3A_26, %add3A_24 : vector<1000x128xf32>
    %tanh3A_28 = math.tanh %mul3A_27 : vector<1000x128xf32>
    %swap3A = arith.constant 0 : index
    %swap3A_29 = arith.constant 0 : index
    %swap3A_30 = vector.load %arg7[%swap3A, %swap3A_29] : memref<1000x256xf32, #tpu.memory_space<vmem>>, vector<1000x128xf32>
    tpu.vector_store %arg7[%swap3A, %swap3A_29], %tanh3A {strides = array<i32>} : memref<1000x256xf32, #tpu.memory_space<vmem>>, vector<1000x128xf32>,
    %swap3A_31 = arith.constant 0 : index
    %swap3A_32 = arith.constant 128 : index
    %swap3A_33 = vector.load %arg7[%swap3A_31, %swap3A_32] : memref<1000x256xf32, #tpu.memory_space<vmem>>, vector<1000x128xf32>
    tpu.vector_store %arg7[%swap3A_31, %swap3A_32], %tanh3A_28 {strides = array<i32>} : memref<1000x256xf32, #tpu.memory_space<vmem>>, vector<1000x128xf32>,
    return
  }
  func.func @transform_0(%arg0: i32) -> (i32, i32) {
    %c0_i32 = arith.constant 0 : i32
    %c0_i32_0 = arith.constant 0 : i32
    return %arg0, %c0_i32 : i32, i32
  }
  func.func @transform_1(%arg0: i32) -> (i32, i32) {
    %c0_i32 = arith.constant 0 : i32
    %c0_i32_0 = arith.constant 0 : i32
    return %arg0, %c0_i32 : i32, i32
  }
  func.func @transform_2(%arg0: i32) -> (i32, i32) {
    %c0_i32 = arith.constant 0 : i32
    %c0_i32_0 = arith.constant 0 : i32
    %c0_i32_1 = arith.constant 0 : i32
    return %c0_i32, %c0_i32_0 : i32, i32
  }
  func.func @transform_3(%arg0: i32) -> (i32, i32) {
    %c0_i32 = arith.constant 0 : i32
    %c0_i32_0 = arith.constant 0 : i32
    %c0_i32_1 = arith.constant 0 : i32
    return %c0_i32, %c0_i32_0 : i32, i32
  }
  func.func @transform_4(%arg0: i32) -> (i32, i32) {
    %c0_i32 = arith.constant 0 : i32
    %c0_i32_0 = arith.constant 0 : i32
    %c0_i32_1 = arith.constant 0 : i32
    return %c0_i32, %c0_i32_0 : i32, i32
  }
  func.func @transform_5(%arg0: i32) -> (i32, i32) {
    %c0_i32 = arith.constant 0 : i32
    %c0_i32_0 = arith.constant 0 : i32
    %c0_i32_1 = arith.constant 0 : i32
    return %c0_i32, %c0_i32_0 : i32, i32
  }
  func.func @transform_6(%arg0: i32) -> (i32, i32) {
    %c0_i32 = arith.constant 0 : i32
    %c0_i32_0 = arith.constant 0 : i32
    return %arg0, %c0_i32 : i32, i32
  }
}

module attributes {stable_mosaic.version = 14 : i64} {
  func.func @_adj_kernel(%arg0: i32, %arg1: memref<1x1xf32, #tpu.memory_space<smem>>, %arg2: memref<80x256xf32, #tpu.memory_space<vmem>>, %arg3: memref<256x10000xf32, #tpu.memory_space<vmem>>, %arg4: memref<80x10000xf32, #tpu.memory_space<vmem>>, %arg5: memref<80x10000xf32, #tpu.memory_space<vmem>>, %arg6: memref<80x10000xi32, #tpu.memory_space<vmem>>) attributes {dimension_semantics = [#tpu.dimension_semantics<arbitrary>], iteration_bounds = array<i64: 125>, scalar_prefetch = 0 : i64, scratch_operands = 2 : i64, tpu.core_type = #tpu.core_type<tc>, window_params = [{transform_indices = @transform_0, window_bounds = array<i64: 1, 1>}, {transform_indices = @transform_1, window_bounds = array<i64: 80, 256>}, {pipeline_mode = #tpu.pipeline_mode<synchronous>, transform_indices = @transform_2, window_bounds = array<i64: 256, 10000>}, {transform_indices = @transform_3, window_bounds = array<i64: 80, 10000>}]} {
    %eq3A = arith.constant 0 : i32
    %eq3A_0 = arith.cmpi eq, %arg0, %eq3A : i32
    %convert_element_type3A = arith.extui %eq3A_0 : i1 to i32
    %cond3A = arith.constant 0 : i32
    %cond3A_1 = arith.cmpi ne, %convert_element_type3A, %cond3A : i32
    scf.if %cond3A_1 {
      %iota3A = tpu.iota {dimensions = array<i32: 0>} : vector<80x10000xi32>
      %iota3A_302 = tpu.iota {dimensions = array<i32: 1>} : vector<80x10000xi32>
      %mul3A_303 = arith.constant 10000 : i32
      %mul3A_304 = vector.broadcast %mul3A_303 : i32 to vector<80x10000xi32>
      %mul3A_305 = arith.muli %iota3A, %mul3A_304 : vector<80x10000xi32>
      %add3A_306 = arith.addi %mul3A_305, %iota3A_302 : vector<80x10000xi32>
      %swap3A_307 = arith.constant 0 : index
      %swap3A_308 = arith.constant 0 : index
      %swap3A_309 = vector.load %arg6[%swap3A_307, %swap3A_308] : memref<80x10000xi32, #tpu.memory_space<vmem>>, vector<80x10000xi32>
      tpu.vector_store %arg6[%swap3A_307, %swap3A_308], %add3A_306 {strides = array<i32>} : memref<80x10000xi32, #tpu.memory_space<vmem>>, vector<80x10000xi32>,
    } else {
    }
    %get3A = arith.constant 0 : index
    %get3A_2 = arith.constant 0 : index
    %get3A_3 = vector.load %arg2[%get3A, %get3A_2] : memref<80x256xf32, #tpu.memory_space<vmem>>, vector<80x256xf32>
    %get3A_4 = arith.constant 0 : index
    %get3A_5 = arith.constant 0 : index
    %get3A_6 = vector.load %arg3[%get3A_4, %get3A_5] : memref<256x10000xf32, #tpu.memory_space<vmem>>, vector<256x10000xf32>
    %dot_general3A = arith.constant dense<0.000000e+00> : vector<80x10000xf32>
    %dot_general3A_7 = tpu.matmul %get3A_3, %get3A_6, %dot_general3A {dimension_numbers = #tpu.dot_dimension_numbers<[1], [0], [0], [1], [0, 0, 1, 1], [], []>, transpose_lhs_hint = false} : vector<80x256xf32>, vector<256x10000xf32>, vector<80x10000xf32> -> vector<80x10000xf32>
    %mul3A = arith.constant 5.000000e-01 : f32
    %mul3A_8 = vector.broadcast %mul3A : f32 to vector<80x10000xf32>
    %mul3A_9 = arith.mulf %mul3A_8, %dot_general3A_7 : vector<80x10000xf32>
    %max3A = arith.constant 0.000000e+00 : f32
    %max3A_10 = vector.broadcast %max3A : f32 to vector<80x10000xf32>
    %max3A_11 = arith.maximumf %mul3A_9, %max3A_10 : vector<80x10000xf32>
    %abs3A = math.absf %mul3A_9 : vector<80x10000xf32>
    %neg3A = arith.constant 0.000000e+00 : f32
    %neg3A_12 = vector.broadcast %neg3A : f32 to vector<80x10000xf32>
    %neg3A_13 = arith.subf %neg3A_12, %abs3A : vector<80x10000xf32>
    %exp3A = math.exp %neg3A_13 : vector<80x10000xf32>
    %log1p3A = math.log1p %exp3A : vector<80x10000xf32>
    %add3A = arith.addf %max3A_11, %log1p3A : vector<80x10000xf32>
    %sub3A = arith.constant 5.000000e-01 : f32
    %sub3A_14 = vector.broadcast %sub3A : f32 to vector<80x10000xf32>
    %sub3A_15 = arith.subf %add3A, %sub3A_14 : vector<80x10000xf32>
    %swap3A = arith.constant 0 : index
    %swap3A_16 = arith.constant 0 : index
    %swap3A_17 = vector.load %arg4[%swap3A, %swap3A_16] : memref<80x10000xf32, #tpu.memory_space<vmem>>, vector<80x10000xf32>
    tpu.vector_store %arg4[%swap3A, %swap3A_16], %sub3A_15 {strides = array<i32>} : memref<80x10000xf32, #tpu.memory_space<vmem>>, vector<80x10000xf32>,
    %get3A_18 = arith.constant 0 : index
    %get3A_19 = arith.constant 0 : index
    %get3A_20 = vector.load %arg6[%get3A_18, %get3A_19] : memref<80x10000xi32, #tpu.memory_space<vmem>>, vector<80x10000xi32>
    %mul3A_21 = arith.constant 800000 : i32
    %mul3A_22 = arith.muli %arg0, %mul3A_21 : i32
    %add3A_23 = vector.broadcast %mul3A_22 : i32 to vector<80x10000xi32>
    %add3A_24 = arith.addi %get3A_20, %add3A_23 : vector<80x10000xi32>
    %broadcast_in_dim3A = arith.constant 0 : i32
    %broadcast_in_dim3A_25 = vector.broadcast %broadcast_in_dim3A : i32 to vector<80x10000xi32>
    %add3A_26 = arith.constant 0 : i32
    %add3A_27 = vector.broadcast %add3A_26 : i32 to vector<80x10000xi32>
    %add3A_28 = arith.addi %broadcast_in_dim3A_25, %add3A_27 : vector<80x10000xi32>
    %add3A_29 = arith.constant 42 : i32
    %add3A_30 = vector.broadcast %add3A_29 : i32 to vector<80x10000xi32>
    %add3A_31 = arith.addi %add3A_24, %add3A_30 : vector<80x10000xi32>
    %add3A_32 = arith.addi %add3A_28, %add3A_31 : vector<80x10000xi32>
    %shift_left3A = arith.constant 13 : i32
    %shift_left3A_33 = vector.broadcast %shift_left3A : i32 to vector<80x10000xi32>
    %shift_left3A_34 = arith.shli %add3A_31, %shift_left3A_33 : vector<80x10000xi32>
    %shift_right_logical3A = arith.constant 19 : i32
    %shift_right_logical3A_35 = vector.broadcast %shift_right_logical3A : i32 to vector<80x10000xi32>
    %shift_right_logical3A_36 = arith.shrui %add3A_31, %shift_right_logical3A_35 : vector<80x10000xi32>
    %or3A = arith.ori %shift_left3A_34, %shift_right_logical3A_36 : vector<80x10000xi32>
    %xor3A = arith.xori %add3A_32, %or3A : vector<80x10000xi32>
    %add3A_37 = arith.addi %add3A_32, %xor3A : vector<80x10000xi32>
    %shift_left3A_38 = arith.constant 15 : i32
    %shift_left3A_39 = vector.broadcast %shift_left3A_38 : i32 to vector<80x10000xi32>
    %shift_left3A_40 = arith.shli %xor3A, %shift_left3A_39 : vector<80x10000xi32>
    %shift_right_logical3A_41 = arith.constant 17 : i32
    %shift_right_logical3A_42 = vector.broadcast %shift_right_logical3A_41 : i32 to vector<80x10000xi32>
    %shift_right_logical3A_43 = arith.shrui %xor3A, %shift_right_logical3A_42 : vector<80x10000xi32>
    %or3A_44 = arith.ori %shift_left3A_40, %shift_right_logical3A_43 : vector<80x10000xi32>
    %xor3A_45 = arith.xori %add3A_37, %or3A_44 : vector<80x10000xi32>
    %add3A_46 = arith.addi %add3A_37, %xor3A_45 : vector<80x10000xi32>
    %shift_left3A_47 = arith.constant 26 : i32
    %shift_left3A_48 = vector.broadcast %shift_left3A_47 : i32 to vector<80x10000xi32>
    %shift_left3A_49 = arith.shli %xor3A_45, %shift_left3A_48 : vector<80x10000xi32>
    %shift_right_logical3A_50 = arith.constant 6 : i32
    %shift_right_logical3A_51 = vector.broadcast %shift_right_logical3A_50 : i32 to vector<80x10000xi32>
    %shift_right_logical3A_52 = arith.shrui %xor3A_45, %shift_right_logical3A_51 : vector<80x10000xi32>
    %or3A_53 = arith.ori %shift_left3A_49, %shift_right_logical3A_52 : vector<80x10000xi32>
    %xor3A_54 = arith.xori %add3A_46, %or3A_53 : vector<80x10000xi32>
    %add3A_55 = arith.addi %add3A_46, %xor3A_54 : vector<80x10000xi32>
    %shift_left3A_56 = arith.constant 6 : i32
    %shift_left3A_57 = vector.broadcast %shift_left3A_56 : i32 to vector<80x10000xi32>
    %shift_left3A_58 = arith.shli %xor3A_54, %shift_left3A_57 : vector<80x10000xi32>
    %shift_right_logical3A_59 = arith.constant 26 : i32
    %shift_right_logical3A_60 = vector.broadcast %shift_right_logical3A_59 : i32 to vector<80x10000xi32>
    %shift_right_logical3A_61 = arith.shrui %xor3A_54, %shift_right_logical3A_60 : vector<80x10000xi32>
    %or3A_62 = arith.ori %shift_left3A_58, %shift_right_logical3A_61 : vector<80x10000xi32>
    %xor3A_63 = arith.xori %add3A_55, %or3A_62 : vector<80x10000xi32>
    %add3A_64 = arith.constant 42 : i32
    %add3A_65 = vector.broadcast %add3A_64 : i32 to vector<80x10000xi32>
    %add3A_66 = arith.addi %add3A_55, %add3A_65 : vector<80x10000xi32>
    %add3A_67 = arith.constant 466689009 : i32
    %add3A_68 = vector.broadcast %add3A_67 : i32 to vector<80x10000xi32>
    %add3A_69 = arith.addi %xor3A_63, %add3A_68 : vector<80x10000xi32>
    %add3A_70 = arith.addi %add3A_66, %add3A_69 : vector<80x10000xi32>
    %shift_left3A_71 = arith.constant 17 : i32
    %shift_left3A_72 = vector.broadcast %shift_left3A_71 : i32 to vector<80x10000xi32>
    %shift_left3A_73 = arith.shli %add3A_69, %shift_left3A_72 : vector<80x10000xi32>
    %shift_right_logical3A_74 = arith.constant 15 : i32
    %shift_right_logical3A_75 = vector.broadcast %shift_right_logical3A_74 : i32 to vector<80x10000xi32>
    %shift_right_logical3A_76 = arith.shrui %add3A_69, %shift_right_logical3A_75 : vector<80x10000xi32>
    %or3A_77 = arith.ori %shift_left3A_73, %shift_right_logical3A_76 : vector<80x10000xi32>
    %xor3A_78 = arith.xori %add3A_70, %or3A_77 : vector<80x10000xi32>
    %add3A_79 = arith.addi %add3A_70, %xor3A_78 : vector<80x10000xi32>
    %shift_left3A_80 = arith.constant 29 : i32
    %shift_left3A_81 = vector.broadcast %shift_left3A_80 : i32 to vector<80x10000xi32>
    %shift_left3A_82 = arith.shli %xor3A_78, %shift_left3A_81 : vector<80x10000xi32>
    %shift_right_logical3A_83 = arith.constant 3 : i32
    %shift_right_logical3A_84 = vector.broadcast %shift_right_logical3A_83 : i32 to vector<80x10000xi32>
    %shift_right_logical3A_85 = arith.shrui %xor3A_78, %shift_right_logical3A_84 : vector<80x10000xi32>
    %or3A_86 = arith.ori %shift_left3A_82, %shift_right_logical3A_85 : vector<80x10000xi32>
    %xor3A_87 = arith.xori %add3A_79, %or3A_86 : vector<80x10000xi32>
    %add3A_88 = arith.addi %add3A_79, %xor3A_87 : vector<80x10000xi32>
    %shift_left3A_89 = arith.constant 16 : i32
    %shift_left3A_90 = vector.broadcast %shift_left3A_89 : i32 to vector<80x10000xi32>
    %shift_left3A_91 = arith.shli %xor3A_87, %shift_left3A_90 : vector<80x10000xi32>
    %shift_right_logical3A_92 = arith.constant 16 : i32
    %shift_right_logical3A_93 = vector.broadcast %shift_right_logical3A_92 : i32 to vector<80x10000xi32>
    %shift_right_logical3A_94 = arith.shrui %xor3A_87, %shift_right_logical3A_93 : vector<80x10000xi32>
    %or3A_95 = arith.ori %shift_left3A_91, %shift_right_logical3A_94 : vector<80x10000xi32>
    %xor3A_96 = arith.xori %add3A_88, %or3A_95 : vector<80x10000xi32>
    %add3A_97 = arith.addi %add3A_88, %xor3A_96 : vector<80x10000xi32>
    %shift_left3A_98 = arith.constant 24 : i32
    %shift_left3A_99 = vector.broadcast %shift_left3A_98 : i32 to vector<80x10000xi32>
    %shift_left3A_100 = arith.shli %xor3A_96, %shift_left3A_99 : vector<80x10000xi32>
    %shift_right_logical3A_101 = arith.constant 8 : i32
    %shift_right_logical3A_102 = vector.broadcast %shift_right_logical3A_101 : i32 to vector<80x10000xi32>
    %shift_right_logical3A_103 = arith.shrui %xor3A_96, %shift_right_logical3A_102 : vector<80x10000xi32>
    %or3A_104 = arith.ori %shift_left3A_100, %shift_right_logical3A_103 : vector<80x10000xi32>
    %xor3A_105 = arith.xori %add3A_97, %or3A_104 : vector<80x10000xi32>
    %add3A_106 = arith.constant 466689008 : i32
    %add3A_107 = vector.broadcast %add3A_106 : i32 to vector<80x10000xi32>
    %add3A_108 = arith.addi %add3A_97, %add3A_107 : vector<80x10000xi32>
    %add3A_109 = arith.constant 2 : i32
    %add3A_110 = vector.broadcast %add3A_109 : i32 to vector<80x10000xi32>
    %add3A_111 = arith.addi %xor3A_105, %add3A_110 : vector<80x10000xi32>
    %add3A_112 = arith.addi %add3A_108, %add3A_111 : vector<80x10000xi32>
    %shift_left3A_113 = arith.constant 13 : i32
    %shift_left3A_114 = vector.broadcast %shift_left3A_113 : i32 to vector<80x10000xi32>
    %shift_left3A_115 = arith.shli %add3A_111, %shift_left3A_114 : vector<80x10000xi32>
    %shift_right_logical3A_116 = arith.constant 19 : i32
    %shift_right_logical3A_117 = vector.broadcast %shift_right_logical3A_116 : i32 to vector<80x10000xi32>
    %shift_right_logical3A_118 = arith.shrui %add3A_111, %shift_right_logical3A_117 : vector<80x10000xi32>
    %or3A_119 = arith.ori %shift_left3A_115, %shift_right_logical3A_118 : vector<80x10000xi32>
    %xor3A_120 = arith.xori %add3A_112, %or3A_119 : vector<80x10000xi32>
    %add3A_121 = arith.addi %add3A_112, %xor3A_120 : vector<80x10000xi32>
    %shift_left3A_122 = arith.constant 15 : i32
    %shift_left3A_123 = vector.broadcast %shift_left3A_122 : i32 to vector<80x10000xi32>
    %shift_left3A_124 = arith.shli %xor3A_120, %shift_left3A_123 : vector<80x10000xi32>
    %shift_right_logical3A_125 = arith.constant 17 : i32
    %shift_right_logical3A_126 = vector.broadcast %shift_right_logical3A_125 : i32 to vector<80x10000xi32>
    %shift_right_logical3A_127 = arith.shrui %xor3A_120, %shift_right_logical3A_126 : vector<80x10000xi32>
    %or3A_128 = arith.ori %shift_left3A_124, %shift_right_logical3A_127 : vector<80x10000xi32>
    %xor3A_129 = arith.xori %add3A_121, %or3A_128 : vector<80x10000xi32>
    %add3A_130 = arith.addi %add3A_121, %xor3A_129 : vector<80x10000xi32>
    %shift_left3A_131 = arith.constant 26 : i32
    %shift_left3A_132 = vector.broadcast %shift_left3A_131 : i32 to vector<80x10000xi32>
    %shift_left3A_133 = arith.shli %xor3A_129, %shift_left3A_132 : vector<80x10000xi32>
    %shift_right_logical3A_134 = arith.constant 6 : i32
    %shift_right_logical3A_135 = vector.broadcast %shift_right_logical3A_134 : i32 to vector<80x10000xi32>
    %shift_right_logical3A_136 = arith.shrui %xor3A_129, %shift_right_logical3A_135 : vector<80x10000xi32>
    %or3A_137 = arith.ori %shift_left3A_133, %shift_right_logical3A_136 : vector<80x10000xi32>
    %xor3A_138 = arith.xori %add3A_130, %or3A_137 : vector<80x10000xi32>
    %add3A_139 = arith.addi %add3A_130, %xor3A_138 : vector<80x10000xi32>
    %shift_left3A_140 = arith.constant 6 : i32
    %shift_left3A_141 = vector.broadcast %shift_left3A_140 : i32 to vector<80x10000xi32>
    %shift_left3A_142 = arith.shli %xor3A_138, %shift_left3A_141 : vector<80x10000xi32>
    %shift_right_logical3A_143 = arith.constant 26 : i32
    %shift_right_logical3A_144 = vector.broadcast %shift_right_logical3A_143 : i32 to vector<80x10000xi32>
    %shift_right_logical3A_145 = arith.shrui %xor3A_138, %shift_right_logical3A_144 : vector<80x10000xi32>
    %or3A_146 = arith.ori %shift_left3A_142, %shift_right_logical3A_145 : vector<80x10000xi32>
    %xor3A_147 = arith.xori %add3A_139, %or3A_146 : vector<80x10000xi32>
    %add3A_148 = arith.constant 0 : i32
    %add3A_149 = vector.broadcast %add3A_148 : i32 to vector<80x10000xi32>
    %add3A_150 = arith.addi %add3A_139, %add3A_149 : vector<80x10000xi32>
    %add3A_151 = arith.constant 45 : i32
    %add3A_152 = vector.broadcast %add3A_151 : i32 to vector<80x10000xi32>
    %add3A_153 = arith.addi %xor3A_147, %add3A_152 : vector<80x10000xi32>
    %add3A_154 = arith.addi %add3A_150, %add3A_153 : vector<80x10000xi32>
    %shift_left3A_155 = arith.constant 17 : i32
    %shift_left3A_156 = vector.broadcast %shift_left3A_155 : i32 to vector<80x10000xi32>
    %shift_left3A_157 = arith.shli %add3A_153, %shift_left3A_156 : vector<80x10000xi32>
    %shift_right_logical3A_158 = arith.constant 15 : i32
    %shift_right_logical3A_159 = vector.broadcast %shift_right_logical3A_158 : i32 to vector<80x10000xi32>
    %shift_right_logical3A_160 = arith.shrui %add3A_153, %shift_right_logical3A_159 : vector<80x10000xi32>
    %or3A_161 = arith.ori %shift_left3A_157, %shift_right_logical3A_160 : vector<80x10000xi32>
    %xor3A_162 = arith.xori %add3A_154, %or3A_161 : vector<80x10000xi32>
    %add3A_163 = arith.addi %add3A_154, %xor3A_162 : vector<80x10000xi32>
    %shift_left3A_164 = arith.constant 29 : i32
    %shift_left3A_165 = vector.broadcast %shift_left3A_164 : i32 to vector<80x10000xi32>
    %shift_left3A_166 = arith.shli %xor3A_162, %shift_left3A_165 : vector<80x10000xi32>
    %shift_right_logical3A_167 = arith.constant 3 : i32
    %shift_right_logical3A_168 = vector.broadcast %shift_right_logical3A_167 : i32 to vector<80x10000xi32>
    %shift_right_logical3A_169 = arith.shrui %xor3A_162, %shift_right_logical3A_168 : vector<80x10000xi32>
    %or3A_170 = arith.ori %shift_left3A_166, %shift_right_logical3A_169 : vector<80x10000xi32>
    %xor3A_171 = arith.xori %add3A_163, %or3A_170 : vector<80x10000xi32>
    %add3A_172 = arith.addi %add3A_163, %xor3A_171 : vector<80x10000xi32>
    %shift_left3A_173 = arith.constant 16 : i32
    %shift_left3A_174 = vector.broadcast %shift_left3A_173 : i32 to vector<80x10000xi32>
    %shift_left3A_175 = arith.shli %xor3A_171, %shift_left3A_174 : vector<80x10000xi32>
    %shift_right_logical3A_176 = arith.constant 16 : i32
    %shift_right_logical3A_177 = vector.broadcast %shift_right_logical3A_176 : i32 to vector<80x10000xi32>
    %shift_right_logical3A_178 = arith.shrui %xor3A_171, %shift_right_logical3A_177 : vector<80x10000xi32>
    %or3A_179 = arith.ori %shift_left3A_175, %shift_right_logical3A_178 : vector<80x10000xi32>
    %xor3A_180 = arith.xori %add3A_172, %or3A_179 : vector<80x10000xi32>
    %add3A_181 = arith.addi %add3A_172, %xor3A_180 : vector<80x10000xi32>
    %shift_left3A_182 = arith.constant 24 : i32
    %shift_left3A_183 = vector.broadcast %shift_left3A_182 : i32 to vector<80x10000xi32>
    %shift_left3A_184 = arith.shli %xor3A_180, %shift_left3A_183 : vector<80x10000xi32>
    %shift_right_logical3A_185 = arith.constant 8 : i32
    %shift_right_logical3A_186 = vector.broadcast %shift_right_logical3A_185 : i32 to vector<80x10000xi32>
    %shift_right_logical3A_187 = arith.shrui %xor3A_180, %shift_right_logical3A_186 : vector<80x10000xi32>
    %or3A_188 = arith.ori %shift_left3A_184, %shift_right_logical3A_187 : vector<80x10000xi32>
    %xor3A_189 = arith.xori %add3A_181, %or3A_188 : vector<80x10000xi32>
    %add3A_190 = arith.constant 42 : i32
    %add3A_191 = vector.broadcast %add3A_190 : i32 to vector<80x10000xi32>
    %add3A_192 = arith.addi %add3A_181, %add3A_191 : vector<80x10000xi32>
    %add3A_193 = arith.constant 466689012 : i32
    %add3A_194 = vector.broadcast %add3A_193 : i32 to vector<80x10000xi32>
    %add3A_195 = arith.addi %xor3A_189, %add3A_194 : vector<80x10000xi32>
    %add3A_196 = arith.addi %add3A_192, %add3A_195 : vector<80x10000xi32>
    %shift_left3A_197 = arith.constant 13 : i32
    %shift_left3A_198 = vector.broadcast %shift_left3A_197 : i32 to vector<80x10000xi32>
    %shift_left3A_199 = arith.shli %add3A_195, %shift_left3A_198 : vector<80x10000xi32>
    %shift_right_logical3A_200 = arith.constant 19 : i32
    %shift_right_logical3A_201 = vector.broadcast %shift_right_logical3A_200 : i32 to vector<80x10000xi32>
    %shift_right_logical3A_202 = arith.shrui %add3A_195, %shift_right_logical3A_201 : vector<80x10000xi32>
    %or3A_203 = arith.ori %shift_left3A_199, %shift_right_logical3A_202 : vector<80x10000xi32>
    %xor3A_204 = arith.xori %add3A_196, %or3A_203 : vector<80x10000xi32>
    %add3A_205 = arith.addi %add3A_196, %xor3A_204 : vector<80x10000xi32>
    %shift_left3A_206 = arith.constant 15 : i32
    %shift_left3A_207 = vector.broadcast %shift_left3A_206 : i32 to vector<80x10000xi32>
    %shift_left3A_208 = arith.shli %xor3A_204, %shift_left3A_207 : vector<80x10000xi32>
    %shift_right_logical3A_209 = arith.constant 17 : i32
    %shift_right_logical3A_210 = vector.broadcast %shift_right_logical3A_209 : i32 to vector<80x10000xi32>
    %shift_right_logical3A_211 = arith.shrui %xor3A_204, %shift_right_logical3A_210 : vector<80x10000xi32>
    %or3A_212 = arith.ori %shift_left3A_208, %shift_right_logical3A_211 : vector<80x10000xi32>
    %xor3A_213 = arith.xori %add3A_205, %or3A_212 : vector<80x10000xi32>
    %add3A_214 = arith.addi %add3A_205, %xor3A_213 : vector<80x10000xi32>
    %shift_left3A_215 = arith.constant 26 : i32
    %shift_left3A_216 = vector.broadcast %shift_left3A_215 : i32 to vector<80x10000xi32>
    %shift_left3A_217 = arith.shli %xor3A_213, %shift_left3A_216 : vector<80x10000xi32>
    %shift_right_logical3A_218 = arith.constant 6 : i32
    %shift_right_logical3A_219 = vector.broadcast %shift_right_logical3A_218 : i32 to vector<80x10000xi32>
    %shift_right_logical3A_220 = arith.shrui %xor3A_213, %shift_right_logical3A_219 : vector<80x10000xi32>
    %or3A_221 = arith.ori %shift_left3A_217, %shift_right_logical3A_220 : vector<80x10000xi32>
    %xor3A_222 = arith.xori %add3A_214, %or3A_221 : vector<80x10000xi32>
    %add3A_223 = arith.addi %add3A_214, %xor3A_222 : vector<80x10000xi32>
    %shift_left3A_224 = arith.constant 6 : i32
    %shift_left3A_225 = vector.broadcast %shift_left3A_224 : i32 to vector<80x10000xi32>
    %shift_left3A_226 = arith.shli %xor3A_222, %shift_left3A_225 : vector<80x10000xi32>
    %shift_right_logical3A_227 = arith.constant 26 : i32
    %shift_right_logical3A_228 = vector.broadcast %shift_right_logical3A_227 : i32 to vector<80x10000xi32>
    %shift_right_logical3A_229 = arith.shrui %xor3A_222, %shift_right_logical3A_228 : vector<80x10000xi32>
    %or3A_230 = arith.ori %shift_left3A_226, %shift_right_logical3A_229 : vector<80x10000xi32>
    %xor3A_231 = arith.xori %add3A_223, %or3A_230 : vector<80x10000xi32>
    %add3A_232 = arith.constant 466689008 : i32
    %add3A_233 = vector.broadcast %add3A_232 : i32 to vector<80x10000xi32>
    %add3A_234 = arith.addi %add3A_223, %add3A_233 : vector<80x10000xi32>
    %add3A_235 = arith.constant 5 : i32
    %add3A_236 = vector.broadcast %add3A_235 : i32 to vector<80x10000xi32>
    %add3A_237 = arith.addi %xor3A_231, %add3A_236 : vector<80x10000xi32>
    %xor3A_238 = arith.xori %add3A_234, %add3A_237 : vector<80x10000xi32>
    %shift_right_logical3A_239 = arith.constant 9 : i32
    %shift_right_logical3A_240 = vector.broadcast %shift_right_logical3A_239 : i32 to vector<80x10000xi32>
    %shift_right_logical3A_241 = arith.shrui %xor3A_238, %shift_right_logical3A_240 : vector<80x10000xi32>
    %or3A_242 = arith.constant 1065353216 : i32
    %or3A_243 = vector.broadcast %or3A_242 : i32 to vector<80x10000xi32>
    %or3A_244 = arith.ori %shift_right_logical3A_241, %or3A_243 : vector<80x10000xi32>
    %bitcast_convert_type3A = tpu.bitcast %or3A_244 : vector<80x10000xi32> -> vector<80x10000xf32>
    %sub3A_245 = arith.constant 1.000000e+00 : f32
    %sub3A_246 = vector.broadcast %sub3A_245 : f32 to vector<80x10000xf32>
    %sub3A_247 = arith.subf %bitcast_convert_type3A, %sub3A_246 : vector<80x10000xf32>
    %add3A_248 = arith.constant 1.000000e-10 : f32
    %add3A_249 = vector.broadcast %add3A_248 : f32 to vector<80x10000xf32>
    %add3A_250 = arith.addf %sub3A_247, %add3A_249 : vector<80x10000xf32>
    %log3A = math.log %add3A_250 : vector<80x10000xf32>
    %neg3A_251 = arith.constant 0.000000e+00 : f32
    %neg3A_252 = vector.broadcast %neg3A_251 : f32 to vector<80x10000xf32>
    %neg3A_253 = arith.subf %neg3A_252, %log3A : vector<80x10000xf32>
    %add3A_254 = arith.constant 1.000000e-10 : f32
    %add3A_255 = vector.broadcast %add3A_254 : f32 to vector<80x10000xf32>
    %add3A_256 = arith.addf %neg3A_253, %add3A_255 : vector<80x10000xf32>
    %log3A_257 = math.log %add3A_256 : vector<80x10000xf32>
    %neg3A_258 = arith.constant 0.000000e+00 : f32
    %neg3A_259 = vector.broadcast %neg3A_258 : f32 to vector<80x10000xf32>
    %neg3A_260 = arith.subf %neg3A_259, %log3A_257 : vector<80x10000xf32>
    %add3A_261 = arith.addf %sub3A_15, %neg3A_260 : vector<80x10000xf32>
    %swap3A_262 = arith.constant 0 : index
    %swap3A_263 = arith.constant 0 : index
    %swap3A_264 = vector.load %arg5[%swap3A_262, %swap3A_263] : memref<80x10000xf32, #tpu.memory_space<vmem>>, vector<80x10000xf32>
    tpu.vector_store %arg5[%swap3A_262, %swap3A_263], %add3A_261 {strides = array<i32>} : memref<80x10000xf32, #tpu.memory_space<vmem>>, vector<80x10000xf32>,
    %reduce_max3A = arith.constant dense<0xFF800000> : vector<80xf32>
    %reduce_max3A_265 = vector.multi_reduction <maximumf>, %add3A_261, %reduce_max3A [1] : vector<80x10000xf32> to vector<80xf32>
    %broadcast_in_dim3A_266 = vector.shape_cast %reduce_max3A_265 : vector<80xf32> to vector<80x1xf32>
    %broadcast_in_dim3A_267 = arith.constant -3.700000e+00 : f32
    %broadcast_in_dim3A_268 = vector.broadcast %broadcast_in_dim3A_267 : f32 to vector<80x1xf32>
    %scan3A = arith.constant 0 : i32
    %scan3A_269 = arith.constant 14 : i32
    %scan3A_270 = arith.addi %scan3A, %scan3A_269 : i32
    %scan3A_271 = arith.constant 1 : i32
    %scan3A_272:2 = scf.for %scan3A_302 = %scan3A to %scan3A_270 step %scan3A_271 iter_args(%scan3A_303 = %broadcast_in_dim3A_268, %scan3A_304 = %broadcast_in_dim3A_266) -> (vector<80x1xf32>, vector<80x1xf32>)  : i32 {
      %add3A_305 = arith.addf %scan3A_303, %scan3A_304 : vector<80x1xf32>
      %mul3A_306 = arith.constant 5.000000e-01 : f32
      %mul3A_307 = vector.broadcast %mul3A_306 : f32 to vector<80x1xf32>
      %mul3A_308 = arith.mulf %mul3A_307, %add3A_305 : vector<80x1xf32>
      %get3A_309 = arith.constant 0 : index
      %get3A_310 = arith.constant 0 : index
      %get3A_311 = vector.load %arg5[%get3A_309, %get3A_310] : memref<80x10000xf32, #tpu.memory_space<vmem>>, vector<80x10000xf32>
      %ge3A = vector.broadcast %mul3A_308 : vector<80x1xf32> to vector<80x10000xf32>
      %ge3A_312 = arith.cmpf oge, %get3A_311, %ge3A : vector<80x10000xf32>
      %convert_element_type3A_313 = arith.extui %ge3A_312 : vector<80x10000xi1> to vector<80x10000xi32>
      %convert_element_type3A_314 = arith.sitofp %convert_element_type3A_313 : vector<80x10000xi32> to vector<80x10000xf32>
      %reduce_sum3A = arith.constant dense<0.000000e+00> : vector<80xf32>
      %reduce_sum3A_315 = vector.multi_reduction <add>, %convert_element_type3A_314, %reduce_sum3A [1] : vector<80x10000xf32> to vector<80xf32>
      %broadcast_in_dim3A_316 = vector.shape_cast %reduce_sum3A_315 : vector<80xf32> to vector<80x1xf32>
      %ge3A_317 = arith.constant 6.400000e+01 : f32
      %ge3A_318 = vector.broadcast %ge3A_317 : f32 to vector<80x1xf32>
      %ge3A_319 = arith.cmpf oge, %broadcast_in_dim3A_316, %ge3A_318 : vector<80x1xf32>
      %select_n3A = arith.select %ge3A_319, %mul3A_308, %scan3A_303 : vector<80x1xi1>, vector<80x1xf32>
      %select_n3A_320 = arith.select %ge3A_319, %scan3A_304, %mul3A_308 : vector<80x1xi1>, vector<80x1xf32>
      scf.yield %select_n3A, %select_n3A_320 : vector<80x1xf32>, vector<80x1xf32>
    }
    %get3A_273 = arith.constant 0 : index
    %get3A_274 = arith.constant 0 : index
    %get3A_275 = memref.load %arg1[%get3A_273, %get3A_274] : memref<1x1xf32, #tpu.memory_space<smem>>
    %get3A_276 = arith.constant 0 : index
    %get3A_277 = arith.constant 0 : index
    %get3A_278 = vector.load %arg5[%get3A_276, %get3A_277] : memref<80x10000xf32, #tpu.memory_space<vmem>>, vector<80x10000xf32>
    %sub3A_279 = vector.broadcast %scan3A_272#0 : vector<80x1xf32> to vector<80x10000xf32>
    %sub3A_280 = arith.subf %get3A_278, %sub3A_279 : vector<80x10000xf32>
    %neg3A_281 = arith.constant 0.000000e+00 : f32
    %neg3A_282 = vector.broadcast %neg3A_281 : f32 to vector<80x10000xf32>
    %neg3A_283 = arith.subf %neg3A_282, %sub3A_280 : vector<80x10000xf32>
    %mul3A_284 = vector.broadcast %get3A_275 : f32 to vector<80x10000xf32>
    %mul3A_285 = arith.mulf %neg3A_283, %mul3A_284 : vector<80x10000xf32>
    %exp3A_286 = math.exp %mul3A_285 : vector<80x10000xf32>
    %add3A_287 = arith.constant 1.000000e+00 : f32
    %add3A_288 = vector.broadcast %add3A_287 : f32 to vector<80x10000xf32>
    %add3A_289 = arith.addf %add3A_288, %exp3A_286 : vector<80x10000xf32>
    %div3A = arith.constant 1.000000e+00 : f32
    %div3A_290 = vector.broadcast %div3A : f32 to vector<80x10000xf32>
    %div3A_291 = arith.divf %div3A_290, %add3A_289 : vector<80x10000xf32>
    %get3A_292 = arith.constant 0 : index
    %get3A_293 = arith.constant 0 : index
    %get3A_294 = vector.load %arg4[%get3A_292, %get3A_293] : memref<80x10000xf32, #tpu.memory_space<vmem>>, vector<80x10000xf32>
    %mul3A_295 = arith.mulf %get3A_294, %div3A_291 : vector<80x10000xf32>
    %max3A_296 = arith.constant 0.000000e+00 : f32
    %max3A_297 = vector.broadcast %max3A_296 : f32 to vector<80x10000xf32>
    %max3A_298 = arith.maximumf %mul3A_295, %max3A_297 : vector<80x10000xf32>
    %swap3A_299 = arith.constant 0 : index
    %swap3A_300 = arith.constant 0 : index
    %swap3A_301 = vector.load %arg4[%swap3A_299, %swap3A_300] : memref<80x10000xf32, #tpu.memory_space<vmem>>, vector<80x10000xf32>
    tpu.vector_store %arg4[%swap3A_299, %swap3A_300], %max3A_298 {strides = array<i32>} : memref<80x10000xf32, #tpu.memory_space<vmem>>, vector<80x10000xf32>,
    return
  }
  func.func @transform_0(%arg0: i32) -> (i32, i32) {
    %c0_i32 = arith.constant 0 : i32
    %c0_i32_0 = arith.constant 0 : i32
    %c0_i32_1 = arith.constant 0 : i32
    return %c0_i32, %c0_i32_0 : i32, i32
  }
  func.func @transform_1(%arg0: i32) -> (i32, i32) {
    %c0_i32 = arith.constant 0 : i32
    %c0_i32_0 = arith.constant 0 : i32
    return %arg0, %c0_i32 : i32, i32
  }
  func.func @transform_2(%arg0: i32) -> (i32, i32) {
    %c0_i32 = arith.constant 0 : i32
    %c0_i32_0 = arith.constant 0 : i32
    %c0_i32_1 = arith.constant 0 : i32
    return %c0_i32, %c0_i32_0 : i32, i32
  }
  func.func @transform_3(%arg0: i32) -> (i32, i32) {
    %c0_i32 = arith.constant 0 : i32
    %c0_i32_0 = arith.constant 0 : i32
    return %arg0, %c0_i32 : i32, i32
  }
}

</mosaic_0001>

<sc_bundles>
// kernel: gather_offload_async_start.1
scs
__scs_entry_jumppad:
0x0: {  	(pc) =	sbr.rel $0x88, $3  }
0x1: {  	(tag) =	ssettag $0x0;
	lr =	simm.s32 $0x1  }
0x2: {  	[smem:$0x3F99] =	sst lr;
	_ =	strace $0xD0000000  }
0x3: {  	_ = 	snop  }
0x4: {  	_ = 	snop  }
0x5: {  	_ = 	snop  }
0x6: {  	_ = 	snop  }
0x7: {  	_ = 	snop  }
__scs_overlays_trampoline_lowered:
0x8: {  	[smem:$0x3FA8] =	sst s0  }
0x9: {  	[smem:$0x3FA9] =	sst s1  }
0xa: {  	[smem:$0x3FAA] =	sst s2  }
0xb: {  	[smem:$0x3FAB] =	sst s3  }
0xc: {  	[smem:$0x3FAC] =	sst s4  }
0xd: {  	[smem:$0x3FAD] =	sst s5  }
0xe: {  	[smem:$0x3FAE] =	sst s6  }
0xf: {  	[smem:$0x3FAF] =	sst s7  }
0x10: {  	[smem:$0x3FB0] =	sst s8  }
0x11: {  	[smem:$0x3FB1] =	sst s9;
	s0 =	simm.s32 @!p0 $0x0  }
0x12: {  	s1 =	sld [smem:$0x3F97];
	s0 =	simm.s32 @p0 $0x1  }
0x13: {  	[smem:$0x3FB2] =	sst s0;
	s0 =	simm.s32 @!p1 $0x0  }
0x14: {  	s2 =	sld [smem:$0x3F96];
	s0 =	simm.s32 @p1 $0x1  }
0x15: {  	[smem:$0x3FB3] =	sst s0;
	s0 =	simm.s32 @!p2 $0x0  }
0x16: {  	s3 =	sld [smem:$0x3FDB];
	s0 =	simm.s32 @p2 $0x1  }
0x17: {  	s4 =	simm.s32 $0x1BF5;
	[smem:$0x3FB5] =	sst s0  }
0x18: {  	s0 =	sld [smem:$0x3F98];
	_ =	swait.ge [sflag:s4], $0x0  }
0x19: {  	s7 =	sld [smem:$0x3F99]  }
0x1a: {  	s8 =	sadd.s32 $0xFFFFE003, lr  }
0x1b: {  	s9 =	sadd.s32 $0xFFFFFEF7, lr;
	s5 =	simm.s32 $0xFFFFFFFF;
	p2 =	slt.u32 s8, $0xFFFFF086  }
0x1c: {  	p1 =	slt.u32 s9, $0xF7A;
	s5 =	simm.s32 @!p2 $0x0  }
0x1d: {  	s5 =	simm.s32 @p1 $0x1;
	p0 =	seq.s32 s7, s2  }
0x1e: {  	s7 =	smul.u32 @!p0 $0xF7A, s2;
	p2 =	seq.s32 @!p0 s5, $0x0  }
0x1f: {  	s9 =	smul.u32 $0xF7A, s1;
	s8 =	simm.s32 @!p0 $0x1BF5;
	p2 =	por !p2, p0  }
0x20: {  	[sflag:s8] =	ssyncset.s32 @!p0 $0xFFFFF086;
	s6 =	sadd.s32 @!p0 s3, s7;
	s7 =	simm.s32 @!p0 $0x108  }
0x21: {  	s3 =	sadd.s32 s3, s9;
	s6 =	sadd.s32 @!p0 $0x88, s6;
	s7 =	simm.s32 @p2 $0x1082  }
0x22: {  	[simem:s7], [sflag:s8] =	dma.local @!p0 [hbm:s6], $0xF7A  }
0x23: {  	s9 =	sor.u32 $0xD0000000, s2;
	s6 =	simm.s32 $0x108;
	_ =	swait.ge @!p0 [sflag:s8], $0x0  }
0x24: {  	s3 =	sadd.s32 $0x88, s3;
	s6 =	simm.s32 @!p1 $0x1082;
	[sflag:s4] =	ssyncset.s32 $0xFFFFF086  }
0x25: {  	[simem:s6], [sflag:s4] =	dma.local [hbm:s3], $0xF7A  }
0x26: {  	[smem:$0x3F99] =	sst s1;
	(tag) =	ssettag s2;
	_ =	strace s9  }
0x27: {  	s1 =	sld [smem:$0x3FA9]  }
0x28: {  	s2 =	sld [smem:$0x3FAA]  }
0x29: {  	s4 =	sld [smem:$0x3FAC]  }
0x2a: {  	p0 =	seq.s32 s5, $0x0;
	s5 =	sld [smem:$0x3FAD]  }
0x2b: {  	s6 =	sld [smem:$0x3FAE]  }
0x2c: {  	s7 =	sld [smem:$0x3FAF]  }
0x2d: {  	s3 =	simm.s32 $0x108;
	s8 =	sld [smem:$0x3FB0]  }
0x2e: {  	s3 =	simm.s32 @!p0 $0x1082;
	s9 =	sld [smem:$0x3FB1]  }
0x2f: {  	lr =	sadd.s32 s0, s3;
	s0 =	sld [smem:$0x3FA8]  }
0x30: {  	s3 =	sld [smem:$0x3FAB]  }
0x31: {  	[smem:$0x3FB4] =	sst s10  }
0x32: {  	s10 =	sld [smem:$0x3FB2];
	_ =	sdelay $0x3  }
0x33: {  	p0 =	seq.s32 s10, $0x1;
	s10 =	sld [smem:$0x3FB4];
	_ =	sdelay $0x3  }
0x34: {  	[smem:$0x3FB4] =	sst s10  }
0x35: {  	s10 =	sld [smem:$0x3FB3];
	_ =	sdelay $0x3  }
0x36: {  	p1 =	seq.s32 s10, $0x1;
	s10 =	sld [smem:$0x3FB4];
	_ =	sdelay $0x3  }
0x37: {  	[smem:$0x3FB4] =	sst s10  }
0x38: {  	s10 =	sld [smem:$0x3FB5]  }
0x39: {  	_ = 	snop;
	(pc) =	sbr.ind lr, $3  }
0x3a: {  	_ = 	snop  }
0x3b: {  	_ = 	snop  }
0x3c: {  	p2 =	seq.s32 s10, $0x1;
	s10 =	sld [smem:$0x3FB4]  }
0x3d: {  	_ =	shalt  }
0x3e: {  	_ =	shalt  }
0x3f: {  	_ =	shalt  }
0x40: {  	_ =	shalt  }
0x41: {  	_ =	shalt  }
0x42: {  	_ =	shalt  }
0x43: {  	_ =	shalt  }
0x44: {  	_ =	shalt  }
0x45: {  	_ =	shalt  }
0x46: {  	_ =	shalt  }
0x47: {  	_ =	shalt  }
0x48: {  	_ =	shalt  }
0x49: {  	_ =	shalt  }
0x4a: {  	_ =	shalt  }
0x4b: {  	_ =	shalt  }
0x4c: {  	_ =	shalt  }
0x4d: {  	_ =	shalt  }
0x4e: {  	_ =	shalt  }
0x4f: {  	_ =	shalt  }
0x50: {  	_ =	shalt  }
0x51: {  	_ =	shalt  }
0x52: {  	_ =	shalt  }
0x53: {  	_ =	shalt  }
0x54: {  	_ =	shalt  }
0x55: {  	_ =	shalt  }
0x56: {  	_ =	shalt  }
0x57: {  	_ =	shalt  }
0x58: {  	_ =	shalt  }
0x59: {  	_ =	shalt  }
0x5a: {  	_ =	shalt  }
0x5b: {  	_ =	shalt  }
0x5c: {  	_ =	shalt  }
0x5d: {  	_ =	shalt  }
0x5e: {  	_ =	shalt  }
0x5f: {  	_ =	shalt  }
0x60: {  	_ =	shalt  }
0x61: {  	_ =	shalt  }
0x62: {  	_ =	shalt  }
0x63: {  	_ =	shalt  }
0x64: {  	_ =	shalt  }
0x65: {  	_ =	shalt  }
0x66: {  	_ =	shalt  }
0x67: {  	_ =	shalt  }
0x68: {  	_ =	shalt  }
0x69: {  	_ =	shalt  }
0x6a: {  	_ =	shalt  }
0x6b: {  	_ =	shalt  }
0x6c: {  	_ =	shalt  }
0x6d: {  	_ =	shalt  }
0x6e: {  	_ =	shalt  }
0x6f: {  	_ =	shalt  }
0x70: {  	_ =	shalt  }
0x71: {  	_ =	shalt  }
0x72: {  	_ =	shalt  }
0x73: {  	_ =	shalt  }
0x74: {  	_ =	shalt  }
0x75: {  	_ =	shalt  }
0x76: {  	_ =	shalt  }
0x77: {  	_ =	shalt  }
0x78: {  	_ =	shalt  }
0x79: {  	_ =	shalt  }
0x7a: {  	_ =	shalt  }
0x7b: {  	_ =	shalt  }
0x7c: {  	_ =	shalt  }
0x7d: {  	_ =	shalt  }
0x7e: {  	_ =	shalt  }
0x7f: {  	_ =	shalt  }
0x80: {  	_ =	shalt  }
0x81: {  	_ =	shalt  }
0x82: {  	_ =	shalt  }
0x83: {  	_ =	shalt  }
0x84: {  	_ =	shalt  }
0x85: {  	_ =	shalt  }
0x86: {  	_ =	shalt  }
0x87: {  	_ =	shalt  }
.Lfunc_end0:
.L_simem_size_0:
called_computation.1_lowered:
.L_overlay_start_0:
0x88: {  	s0 =	sld [smem:$0x3FD9]  }
0x89: {  	s1 =	sld [smem:$0x3FFE];
	_ =	sdelay $0x3  }
0x8a: {  	s0 =	sadd.s32 s1, s0  }
0x8b: {  	[smem:$0x3FC0] =	sst s0  }
0x8c: {  	_ = 	snop  }
0x8d: {  	s0 =	sld [smem:$0x3FC7];
	(tm) =	ssettm $0x1  }
0x8e: {  	s16 =	sld [smem:$0x3FFB];
	_ =	sdelay $0x3  }
0x8f: {  	_ =	strace s16  }
0x90: {  	s1 =	sld [smem:$0x3FFC];
	_ =	sdelay $0x3  }
0x91: {  	_ =	strace s1  }
0x92: {  	s1 =	sld [smem:$0x3FFD];
	_ =	sdelay $0x3  }
0x93: {  	_ =	strace s1  }
0x94: {  	_ =	strace $0x8FFFFFFF  }
0x95: {  	s17 =	sld [smem:$0x3FDB];
	_ =	sdelay $0x1  }
0x96: {  	s2 =	simm.s32 $_scs_section_size  }
0x97: {  	s3 =	simm.s32 $_size__tile_overlayer_lowered;
	s4 =	simm.s32 $_tile_overlayer_lowered  }
0x98: {  	s20 =	simm.s32 $0x1BFF;
	s19 =	sshll.u32 s4, $0x1;
	s1 =	sadd.s32 s2, s17  }
0x99: {  	s5 =	simm.s32 $0x0;
	s18 =	sshll.u32 s3, $0x1;
	s3 =	sadd.s32 s19, s1  }
0x9a: {  	[timem:s5], [sflag:s20] =	dma.local [hbm:s3], s18  }
0x9b: {  	_ =	swait.ge [sflag:s20], s18  }
0x9c: {  	s2 =	ssub.s32 $0x0, s18;
	[sflag:s20] =	ssyncset.done $0x0  }
0x9d: {  	[sflag:s20] =	ssyncadd.s32 s2;
	_ =	sdelay $0x1  }
0x9e: {  	s21 =	simm.s32 $0x1B8B  }
0x9f: {  	_ =	swait.ge [sflag:s21], $0x1  }
0xa0: {  	[sflag:s21] =	ssyncset.done $0x0  }
0xa1: {  	s23 =	simm.s32 $0x1B8E;
	s22 =	sld [smem:$0x3FFE];
	[sflag:s21] =	ssyncadd.s32 $0xFFFFFFFF  }
0xa2: {  	s24 =	simm.s32 $execute0_lowered;
	[smem:$0x3FD2] =	sst s23  }
0xa3: {  	s3 =	sshll.u32 s24, $0x1;
	_ =	strace $0x80000046;
	[dreg:$0x1] =	wrdreg $0xFFFFFFFF  }
0xa4: {  	s25 =	simm.s32 $_size_execute0_lowered;
	s1 =	sadd.s32 s1, s3;
	[dreg:$0x0] =	wrdreg $0x0  }
0xa5: {  	s3 =	sshll.u32 s25, $0x1;
	[dreg:$0x2] =	wrdreg s1  }
0xa6: {  	[dreg:$0x3] =	wrdreg s3  }
0xa7: {  	[dreg:$0x4] =	wrdreg $0xC0  }
0xa8: {  	_ =	task [dreg:s5], $0x5FFFF  }
0xa9: {  	[dreg:$0x1] =	wrdreg $0xFFFFFFFF  }
0xaa: {  	[dreg:$0x0] =	wrdreg $0x60  }
0xab: {  	[dreg:$0x2] =	wrdreg s0  }
0xac: {  	[dreg:$0x3] =	wrdreg s22  }
0xad: {  	[dreg:$0x4] =	wrdreg $0xA  }
0xae: {  	_ =	task.clear_ibuf [dreg:s5], $0x5FFFF;
	_ =	strace $0x90000046  }
0xaf: {  	s26 =	simm.s32 $0xA;
	_ =	strace $0x80000048  }
0xb0: {  	_ =	swait.ge [sflag:s26], $0x1  }
0xb1: {  	[sflag:s26] =	ssyncadd.s32 $0xFFFFFFFF  }
0xb2: {  	_ =	strace $0x90000048  }
0xb3: {  	_ =	sfence  }
0xb4: {  	s28 =	sld [smem:$0x0];
	_ =	sdelay $0x1  }
0xb5: {  	s29 =	srdreg.scid  }
0xb6: {  	s30 =	sshll.u32 s29, $0xD;
	s31 =	sshrl.u32 s29, $0x2  }
0xb7: {  	s2 =	sand.u32 $0x4000, s30;
	s1 =	sand.u32 $0x1, s29;
	s0 =	sadd.s32 s31, s28  }
0xb8: {  	s1 =	sor.u32 s2, s1;
	s0 =	sshll.u32 s0, $0x11  }
0xb9: {  	s0 =	sor.u32 s0, s1  }
0xba: {  	s0 =	sadd.s32 $0x8F2B, s0  }
0xbb: {  	[sflag:s0] =	ssyncadd.remote.s32 $0x1  }
0xbc: {  	_ =	sfence.sel $0xFFFF  }
0xbd: {  	[dreg:$0x0] =	wrdreg $0xFFFFFFFF;
	(pc) =	sbr.abs _section_cstart, $3  }
0xbe: {  	[dreg:$0x1] =	wrdreg $0xFFFFFFFF  }
0xbf: {  	_ =	task.clear_ibuf [dreg:s5], $0x2FFFF;
	_ =	strace $0x9FFFFFFF  }
0xc0: {  	(tm) =	ssettm $0x7FFFFFFF  }
0xc1: {  	_ =	shalt  }
tec
execute0_lowered:
.L_overlay_start_1:
0x0: {  	(tag) =	ssettag $0x1  }
0x1: {  	s0 =	stileid.u32  }
0x2: {  	s1 =	smin.u32 s0, $0x9  }
0x3: {  	s1 =	sadd.s32 s0, s1  }
0x4: {  	s2 =	simm.s32 $0x320;
	p0 =	slt.u32 s0, $0x9;
	s1 =	smul.u32 $0x190, s1  }
0x5: {  	s2 =	simm.s32 @!p0 $0x190  }
0x6: {  	s2 =	sadd.s32 s2, s1  }
0x7: {  	s3 =	smin.u32 s2, $0x2710  }
0x8: {  	s7 =	ssub.s32 s3, s1  }
0x9: {  	p0 =	sgt.s32 s7, $0x0  }
0xa: {  	s7 =	simm.s32 @!p0 $0x0  }
0xb: {  	s31 =	sand.u32 $0xFFF0, s7  }
0xc: {  	s2 =	sshrl.u32 s31, $0x4  }
0xd: {  	s4 =	rddreg [dreg:$0x0];
	s2 =	smul.u32 $0xA3E, s2  }
0xe: {  	s9 =	rddreg [dreg:$0x1];
	s6 =	simm.s32 $0x1  }
0xf: {  	s11 =	simm.s32 $0x3;
	s13 =	simm.s32 $0x0;
	s8 =	sshrl.u32 s2, $0x10  }
0x10: {  	s12 =	simm.s32 $0x0;
	s5 =	sadd.s32 $0x1C00, s9;
	s10 =	smul.u32 $0x190, s8  }
.Ltmp0:
0x11: {  	s9 =	sadd.s32 $0x2200, s9;
	s2 =	rddreg [dreg:$0x2];
	(pc) =	sbr.rel .LBB2_1-.Ltmp0, $4  }
0x12: {  	_ =	strace $0x80000047;
	p0 =	sne.s32 s7, s10;
	s10 =	simm.s32 $0x1  }
0x13: {  	[sflag:s6] =	ssyncpa.u1 $0x0;
	s7 =	simm.s32 $0x2;
	s10 =	simm.s32 @!p0 $0x0  }
0x14: {  	[sflag:s7] =	ssyncpa.u1 $0x0;
	p0 =	por $0x0, $0x0;
	s8 =	sadd.s32 s8, s10  }
0x15: {  	vm0 =	vmmov $0xff;
	vm1 =	vcmask $0x3F20;
	[sflag:s11] =	ssyncpa.u1 $0x0;
	s11 =	smov.u32 s1;
	s10 =	sadd.s32 $0x1, s8  }
.LBB2_6:
0x16: {  	[hbm:s17] =	stream.linear.scatter [tilespmem:s14], [sflag:$0x3], $0x400, $0x38;
	[tilespmem:$0x19320] =	vst v63  }
.LBB2_7:
0x17: {  	s13 =	sadd.s32 $0x190, s11  }
0x18: {  	s15 =	smov.u32 s1;
	p2 =	slt.s32 s13, s3  }
0x19: {  	s15 =	smov.u32 @p2 s13;
	p2 =	sne.s32 s12, s10  }
.Ltmp1:
0x1a: {  	p1 =	slt.u32 s12, $0x2;
	(pc) =	sbr.rel @!p2 .LBB2_8-.Ltmp1, $4  }
0x1b: {  	s14 =	simm.s32 @!p1 $0x3  }
0x1c: {  	s16 =	sadd.s32 $0x1, s12;
	_ =	swait.ge @!p1 [sflag:s14], $0xC800  }
0x1d: {  	p0 =	por !p0, !p0;
	s13 =	smov.u32 s11;
	[sflag:s14] =	ssyncset.done @!p1 $0x0  }
0x1e: {  	s12 =	smov.u32 s16;
	s11 =	smov.u32 s15;
	[sflag:s14] =	ssyncadd.s32 @!p1 $0xFFFF3800  }
.LBB2_1:
0x1f: {  	p1 =	sge.u32 s12, s8  }
0x20: {  	s14 =	sxor.u32 @!p1 $0xFFFFFFFF, s12  }
0x21: {  	s14 =	sand.u32 @!p1 $0x1, s14  }
0x22: {  	s14 =	smul.u32 @!p1 $0x640, s14  }
0x23: {  	s31 =	sadd.s32 $0xFFFFFFFF, s12;
	s15 =	sshrl.u32 @!p1 s11, $0x3  }
0x24: {  	s16 =	sand.u32 @!p1 $0x7, s11;
	s15 =	sadd.s32 @!p1 s5, s15;
	s14 =	sshrl.u32 @!p1 s14, $0x2  }
0x25: {  	[tilespmem:s14], [sflag:$0x2] =	stream.linear.gather @!p1 [hbm4b:s15+s16], $0x190, $0x38;
	[tilespmem:$0x19320] =	vst v63  }
0x26: {  	p1 =	sge.u32 s31, s8  }
.Ltmp2:
0x27: {  	_ = 	snop;
	(pc) =	sbr.rel @p1 .LBB2_7-.Ltmp2, $1  }
0x28: {  	_ =	sdelay $0x3  }
0x29: {  	s14 =	simm.s32 $0x1  }
0x2a: {  	s14 =	simm.s32 @!p0 $0x0  }
0x2b: {  	s15 =	smul.u32 $0x640, s14  }
0x2c: {  	_ =	swait.ge [sflag:s7], $0x190  }
0x2d: {  	[sflag:s7] =	ssyncset.done $0x0;
	s16 =	sshrl.u32 s15, $0x2  }
0x2e: {  	[sflag:s7] =	ssyncadd.s32 $0xFFFFFE70;
	s15 =	sadd.s32 $0x0, s16  }
0x2f: {  	v0 =	vld.msk [tilespmem:s15+$0x0 ss:$0x1], $0xffff;
	_ =	sdelay $0x4  }
0x30: {  	vm2 =	vgt.s32 v0, $0x0  }
0x31: {  	v0 =	vnsel vm2, $0x0, v0  }
0x32: {  	v0 =	vmin.u32 v0, $0x270F  }
0x33: {  	v0 =	vshll.u32 v0, $0x4  }
0x34: {  	s14 =	smul.u32 $0x32000, s14;
	_ =	sdelay $0x1  }
0x35: {  	s14 =	sshrl.u32 s14, $0x2  }
0x36: {  	s14 =	sor.u32 $0x320, s14  }
0x37: {  	[tilespmem:s14], [sflag:$0x1] =	stream.indirect_vreg.gather [hbm:s4], $0x80, v0, vm0, $0x38;
	[tilespmem:$0x19320] =	vst v63  }
0x38: {  	s17 =	sadd.s32 $0x10, s16;
	s15 =	sadd.s32 $0x400, s14  }
0x39: {  	[tilespmem:s15], [sflag:$0x1] =	stream.indirect_vreg.gather [hbm:s4], $0x80, v0, vm1, $0x38;
	[tilespmem:$0x19320] =	vst v63  }
0x3a: {  	s18 =	simm.s32 $0x80;
	v0 =	vld.msk [tilespmem:s17+$0x0 ss:$0x1], $0xffff;
	s17 =	smov.u32 s14  }
.LBB2_3:
0x3b: {  	p1 =	sne.s32 s18, $0x600;
	_ =	sdelay $0x4  }
0x3c: {  	vm2 =	vgt.s32 v0, $0x0  }
0x3d: {  	v0 =	vnsel vm2, $0x0, v0  }
0x3e: {  	v0 =	vmin.u32 v0, $0x270F  }
0x3f: {  	v0 =	vshll.u32 v0, $0x4;
	_ =	sdelay $0x3  }
.Ltmp3:
0x40: {  	s19 =	sshra.s32 s18, $0x2;
	s17 =	sadd.s32 $0x800, s17;
	(pc) =	sbr.rel @p1 .LBB2_3-.Ltmp3, $4  }
0x41: {  	[tilespmem:s17], [sflag:$0x1] =	stream.indirect_vreg.gather [hbm:s4], $0x80, v0, vm0, $0x38;
	[tilespmem:$0x19320] =	vst v63  }
0x42: {  	s19 =	sadd.s32 s19, s16;
	s20 =	sadd.s32 $0x400, s17  }
0x43: {  	[tilespmem:s20], [sflag:$0x1] =	stream.indirect_vreg.gather [hbm:s4], $0x80, v0, vm1, $0x38;
	[tilespmem:$0x19320] =	vst v63  }
0x44: {  	s18 =	sadd.s32 $0x40, s18;
	v0 =	vld.msk [tilespmem:s19+$0x0 ss:$0x1], $0xffff  }
0x45: {  	_ =	sdelay $0x3  }
0x46: {  	vm2 =	vgt.s32 v0, $0x0  }
0x47: {  	v0 =	vnsel vm2, $0x0, v0  }
0x48: {  	v0 =	vmin.u32 v0, $0x270F  }
0x49: {  	v0 =	vshll.u32 v0, $0x4;
	_ =	sdelay $0x3  }
0x4a: {  	s16 =	sadd.s32 $0x800, s17  }
0x4b: {  	[tilespmem:s16], [sflag:$0x1] =	stream.indirect_vreg.gather [hbm:s4], $0x80, v0, vm0, $0x38;
	[tilespmem:$0x19320] =	vst v63  }
0x4c: {  	s16 =	sadd.s32 $0x400, s16  }
0x4d: {  	[tilespmem:s16], [sflag:$0x1] =	stream.indirect_vreg.gather [hbm:s4], $0x80, v0, vm1, $0x38;
	[tilespmem:$0x19320] =	vst v63  }
0x4e: {  	s13 =	sshll.u32 s13, $0x4;
	_ =	swait.ge [sflag:s6], $0xC800  }
0x4f: {  	s13 =	sadd.s32 s13, s9;
	[sflag:s6] =	ssyncset.done $0x0  }
0x50: {  	s17 =	sadd.s32 $0x0, s13;
	s16 =	simm.s32 $0x80;
	[sflag:s6] =	ssyncadd.s32 $0xFFFF3800  }
.LBB2_5:
0x51: {  	[hbm:s17] =	stream.linear.scatter [tilespmem:s14], [sflag:$0x3], $0x400, $0x38;
	[tilespmem:$0x19320] =	vst v63  }
0x52: {  	s17 =	smov.u32 s16;
	s14 =	smov.u32 s15;
	p1 =	sne.s32 s16, $0x1880  }
.Ltmp4:
0x53: {  	s16 =	sadd.s32 $0x80, s16;
	(pc) =	sbr.rel @p1 .LBB2_5-.Ltmp4, $2  }
0x54: {  	_ =	sdelay $0x2  }
0x55: {  	s15 =	sadd.s32 $0x400, s15;
	s17 =	sadd.s32 s17, s13  }
.Ltmp5:
0x56: {  	_ = 	snop;
	(pc) =	sbr.rel .LBB2_6-.Ltmp5, $1  }
0x57: {  	_ =	sdelay $0x3  }
.LBB2_8:
0x58: {  	_ =	sfence.sel $0x180000  }
0x59: {  	s1 =	simm.s32 $0x2;
	[bflag:$0x0] =	sbarrier.arrive $0xFFFF  }
0x5a: {  	s30 =	simm.s32 $0x3;
	[sflag:s1] =	ssyncpa.u1 $0x1  }
0x5b: {  	s31 =	simm.s32 $0x1;
	[sflag:s30] =	ssyncpa.u1 $0x1  }
0x5c: {  	[sflag:s31] =	ssyncpa.u1 $0x1  }
0x5d: {  	p0 =	sne.s32 s0, $0x0;
	_ =	strace $0x90000047  }
0x5e: {  	s0 =	sadd.s32 @!p0 $0x100000, s2;
	[bflag:$0x2] =	sbarrier.arrive $0xFFFF  }
0x5f: {  	[sflag:s0] =	ssyncadd.tile.s32 @!p0 $0x1;
	_ =	shalt  }
.Lfunc_end2:
_tile_overlayer_lowered:
.L_overlay_start_2:
0x60: {  	(tag) =	ssettag $0x2  }
0x61: {  	s0 =	rddreg [dreg:$0x0];
	s2 =	stileid.u32  }
0x62: {  	s1 =	rddreg [dreg:$0x1];
	p0 =	sne.s32 s2, $0x0  }
0x63: {  	s3 =	rddreg [dreg:$0x2];
	[bflag:$0x3] =	sbarrier.arrive $0xFFFF;
	s2 =	simm.s32 @!p0 $0x1C01  }
0x64: {  	[timem:s3], [sflag:s2] =	dma.local @!p0 [hbm:s0], s1  }
0x65: {  	s0 =	simm.s32 @!p0 $0x1  }
0x66: {  	_ =	swait.ge @!p0 [sflag:s0], s1  }
0x67: {  	s1 =	ssub.s32 @!p0 $0x0, s1;
	[sflag:s0] =	ssyncset.done @!p0 $0x0  }
0x68: {  	[sflag:s0] =	ssyncadd.s32 @!p0 s1  }
0x69: {  	[bflag:$0x3] =	sbarrier.arrive $0xFFFF  }
0x6a: {  	_ =	shalt  }

// kernel: gather_offload_async_start
scs
__scs_entry_jumppad:
0x0: {  	(pc) =	sbr.rel $0x88, $3  }
0x1: {  	(tag) =	ssettag $0x0;
	lr =	simm.s32 $0x1  }
0x2: {  	[smem:$0x3F99] =	sst lr;
	_ =	strace $0xD0000000  }
0x3: {  	_ = 	snop  }
0x4: {  	_ = 	snop  }
0x5: {  	_ = 	snop  }
0x6: {  	_ = 	snop  }
0x7: {  	_ = 	snop  }
__scs_overlays_trampoline_lowered:
0x8: {  	[smem:$0x3FA8] =	sst s0  }
0x9: {  	[smem:$0x3FA9] =	sst s1  }
0xa: {  	[smem:$0x3FAA] =	sst s2  }
0xb: {  	[smem:$0x3FAB] =	sst s3  }
0xc: {  	[smem:$0x3FAC] =	sst s4  }
0xd: {  	[smem:$0x3FAD] =	sst s5  }
0xe: {  	[smem:$0x3FAE] =	sst s6  }
0xf: {  	[smem:$0x3FAF] =	sst s7  }
0x10: {  	[smem:$0x3FB0] =	sst s8  }
0x11: {  	[smem:$0x3FB1] =	sst s9;
	s0 =	simm.s32 @!p0 $0x0  }
0x12: {  	s1 =	sld [smem:$0x3F97];
	s0 =	simm.s32 @p0 $0x1  }
0x13: {  	[smem:$0x3FB2] =	sst s0;
	s0 =	simm.s32 @!p1 $0x0  }
0x14: {  	s2 =	sld [smem:$0x3F96];
	s0 =	simm.s32 @p1 $0x1  }
0x15: {  	[smem:$0x3FB3] =	sst s0;
	s0 =	simm.s32 @!p2 $0x0  }
0x16: {  	s3 =	sld [smem:$0x3FDB];
	s0 =	simm.s32 @p2 $0x1  }
0x17: {  	s4 =	simm.s32 $0x1BF5;
	[smem:$0x3FB5] =	sst s0  }
0x18: {  	s0 =	sld [smem:$0x3F98];
	_ =	swait.ge [sflag:s4], $0x0  }
0x19: {  	s7 =	sld [smem:$0x3F99]  }
0x1a: {  	s8 =	sadd.s32 $0xFFFFE003, lr  }
0x1b: {  	s9 =	sadd.s32 $0xFFFFFEF7, lr;
	s5 =	simm.s32 $0xFFFFFFFF;
	p2 =	slt.u32 s8, $0xFFFFF086  }
0x1c: {  	p1 =	slt.u32 s9, $0xF7A;
	s5 =	simm.s32 @!p2 $0x0  }
0x1d: {  	s5 =	simm.s32 @p1 $0x1;
	p0 =	seq.s32 s7, s2  }
0x1e: {  	s7 =	smul.u32 @!p0 $0xF7A, s2;
	p2 =	seq.s32 @!p0 s5, $0x0  }
0x1f: {  	s9 =	smul.u32 $0xF7A, s1;
	s8 =	simm.s32 @!p0 $0x1BF5;
	p2 =	por !p2, p0  }
0x20: {  	[sflag:s8] =	ssyncset.s32 @!p0 $0xFFFFF086;
	s6 =	sadd.s32 @!p0 s3, s7;
	s7 =	simm.s32 @!p0 $0x108  }
0x21: {  	s3 =	sadd.s32 s3, s9;
	s6 =	sadd.s32 @!p0 $0x88, s6;
	s7 =	simm.s32 @p2 $0x1082  }
0x22: {  	[simem:s7], [sflag:s8] =	dma.local @!p0 [hbm:s6], $0xF7A  }
0x23: {  	s9 =	sor.u32 $0xD0000000, s2;
	s6 =	simm.s32 $0x108;
	_ =	swait.ge @!p0 [sflag:s8], $0x0  }
0x24: {  	s3 =	sadd.s32 $0x88, s3;
	s6 =	simm.s32 @!p1 $0x1082;
	[sflag:s4] =	ssyncset.s32 $0xFFFFF086  }
0x25: {  	[simem:s6], [sflag:s4] =	dma.local [hbm:s3], $0xF7A  }
0x26: {  	[smem:$0x3F99] =	sst s1;
	(tag) =	ssettag s2;
	_ =	strace s9  }
0x27: {  	s1 =	sld [smem:$0x3FA9]  }
0x28: {  	s2 =	sld [smem:$0x3FAA]  }
0x29: {  	s4 =	sld [smem:$0x3FAC]  }
0x2a: {  	p0 =	seq.s32 s5, $0x0;
	s5 =	sld [smem:$0x3FAD]  }
0x2b: {  	s6 =	sld [smem:$0x3FAE]  }
0x2c: {  	s7 =	sld [smem:$0x3FAF]  }
0x2d: {  	s3 =	simm.s32 $0x108;
	s8 =	sld [smem:$0x3FB0]  }
0x2e: {  	s3 =	simm.s32 @!p0 $0x1082;
	s9 =	sld [smem:$0x3FB1]  }
0x2f: {  	lr =	sadd.s32 s0, s3;
	s0 =	sld [smem:$0x3FA8]  }
0x30: {  	s3 =	sld [smem:$0x3FAB]  }
0x31: {  	[smem:$0x3FB4] =	sst s10  }
0x32: {  	s10 =	sld [smem:$0x3FB2];
	_ =	sdelay $0x3  }
0x33: {  	p0 =	seq.s32 s10, $0x1;
	s10 =	sld [smem:$0x3FB4];
	_ =	sdelay $0x3  }
0x34: {  	[smem:$0x3FB4] =	sst s10  }
0x35: {  	s10 =	sld [smem:$0x3FB3];
	_ =	sdelay $0x3  }
0x36: {  	p1 =	seq.s32 s10, $0x1;
	s10 =	sld [smem:$0x3FB4];
	_ =	sdelay $0x3  }
0x37: {  	[smem:$0x3FB4] =	sst s10  }
0x38: {  	s10 =	sld [smem:$0x3FB5]  }
0x39: {  	_ = 	snop;
	(pc) =	sbr.ind lr, $3  }
0x3a: {  	_ = 	snop  }
0x3b: {  	_ = 	snop  }
0x3c: {  	p2 =	seq.s32 s10, $0x1;
	s10 =	sld [smem:$0x3FB4]  }
0x3d: {  	_ =	shalt  }
0x3e: {  	_ =	shalt  }
0x3f: {  	_ =	shalt  }
0x40: {  	_ =	shalt  }
0x41: {  	_ =	shalt  }
0x42: {  	_ =	shalt  }
0x43: {  	_ =	shalt  }
0x44: {  	_ =	shalt  }
0x45: {  	_ =	shalt  }
0x46: {  	_ =	shalt  }
0x47: {  	_ =	shalt  }
0x48: {  	_ =	shalt  }
0x49: {  	_ =	shalt  }
0x4a: {  	_ =	shalt  }
0x4b: {  	_ =	shalt  }
0x4c: {  	_ =	shalt  }
0x4d: {  	_ =	shalt  }
0x4e: {  	_ =	shalt  }
0x4f: {  	_ =	shalt  }
0x50: {  	_ =	shalt  }
0x51: {  	_ =	shalt  }
0x52: {  	_ =	shalt  }
0x53: {  	_ =	shalt  }
0x54: {  	_ =	shalt  }
0x55: {  	_ =	shalt  }
0x56: {  	_ =	shalt  }
0x57: {  	_ =	shalt  }
0x58: {  	_ =	shalt  }
0x59: {  	_ =	shalt  }
0x5a: {  	_ =	shalt  }
0x5b: {  	_ =	shalt  }
0x5c: {  	_ =	shalt  }
0x5d: {  	_ =	shalt  }
0x5e: {  	_ =	shalt  }
0x5f: {  	_ =	shalt  }
0x60: {  	_ =	shalt  }
0x61: {  	_ =	shalt  }
0x62: {  	_ =	shalt  }
0x63: {  	_ =	shalt  }
0x64: {  	_ =	shalt  }
0x65: {  	_ =	shalt  }
0x66: {  	_ =	shalt  }
0x67: {  	_ =	shalt  }
0x68: {  	_ =	shalt  }
0x69: {  	_ =	shalt  }
0x6a: {  	_ =	shalt  }
0x6b: {  	_ =	shalt  }
0x6c: {  	_ =	shalt  }
0x6d: {  	_ =	shalt  }
0x6e: {  	_ =	shalt  }
0x6f: {  	_ =	shalt  }
0x70: {  	_ =	shalt  }
0x71: {  	_ =	shalt  }
0x72: {  	_ =	shalt  }
0x73: {  	_ =	shalt  }
0x74: {  	_ =	shalt  }
0x75: {  	_ =	shalt  }
0x76: {  	_ =	shalt  }
0x77: {  	_ =	shalt  }
0x78: {  	_ =	shalt  }
0x79: {  	_ =	shalt  }
0x7a: {  	_ =	shalt  }
0x7b: {  	_ =	shalt  }
0x7c: {  	_ =	shalt  }
0x7d: {  	_ =	shalt  }
0x7e: {  	_ =	shalt  }
0x7f: {  	_ =	shalt  }
0x80: {  	_ =	shalt  }
0x81: {  	_ =	shalt  }
0x82: {  	_ =	shalt  }
0x83: {  	_ =	shalt  }
0x84: {  	_ =	shalt  }
0x85: {  	_ =	shalt  }
0x86: {  	_ =	shalt  }
0x87: {  	_ =	shalt  }
.Lfunc_end0:
.L_simem_size_0:
called_computation_lowered:
.L_overlay_start_0:
0x88: {  	s0 =	sld [smem:$0x3FD9]  }
0x89: {  	s1 =	sld [smem:$0x3FFE];
	_ =	sdelay $0x3  }
0x8a: {  	s0 =	sadd.s32 s1, s0  }
0x8b: {  	[smem:$0x3FC0] =	sst s0  }
0x8c: {  	_ = 	snop  }
0x8d: {  	s0 =	sld [smem:$0x3FC8]  }
0x8e: {  	s16 =	sld [smem:$0x3FD0];
	(tm) =	ssettm $0x1  }
0x8f: {  	s2 =	sld [smem:$0x3FFB];
	_ =	sdelay $0x3  }
0x90: {  	_ =	strace s2  }
0x91: {  	s2 =	sld [smem:$0x3FFC];
	_ =	sdelay $0x3  }
0x92: {  	_ =	strace s2  }
0x93: {  	s2 =	sld [smem:$0x3FFD];
	_ =	sdelay $0x3  }
0x94: {  	_ =	strace s2  }
0x95: {  	_ =	strace $0x8FFFFFFF  }
0x96: {  	s17 =	sld [smem:$0x3FDB];
	_ =	sdelay $0x1  }
0x97: {  	s3 =	simm.s32 $_scs_section_size  }
0x98: {  	s4 =	simm.s32 $_size__tile_overlayer_lowered;
	s5 =	simm.s32 $_tile_overlayer_lowered  }
0x99: {  	s20 =	simm.s32 $0x1BFF;
	s19 =	sshll.u32 s5, $0x1;
	s2 =	sadd.s32 s3, s17  }
0x9a: {  	s6 =	simm.s32 $0x0;
	s18 =	sshll.u32 s4, $0x1;
	s4 =	sadd.s32 s19, s2  }
0x9b: {  	[timem:s6], [sflag:s20] =	dma.local [hbm:s4], s18  }
0x9c: {  	_ =	swait.ge [sflag:s20], s18  }
0x9d: {  	s3 =	ssub.s32 $0x0, s18;
	[sflag:s20] =	ssyncset.done $0x0  }
0x9e: {  	[sflag:s20] =	ssyncadd.s32 s3;
	_ =	sdelay $0x1  }
0x9f: {  	s21 =	simm.s32 $0x1B8B  }
0xa0: {  	_ =	swait.ge [sflag:s21], $0x1  }
0xa1: {  	[sflag:s21] =	ssyncset.done $0x0  }
0xa2: {  	s23 =	simm.s32 $0x1B8E;
	s22 =	sld [smem:$0x3FFE];
	[sflag:s21] =	ssyncadd.s32 $0xFFFFFFFF  }
0xa3: {  	s24 =	simm.s32 $execute0_lowered;
	[smem:$0x3FD2] =	sst s23  }
0xa4: {  	s4 =	sshll.u32 s24, $0x1;
	_ =	strace $0x80000049;
	[dreg:$0x1] =	wrdreg $0xFFFFFFFF  }
0xa5: {  	s25 =	simm.s32 $_size_execute0_lowered;
	s2 =	sadd.s32 s2, s4;
	[dreg:$0x0] =	wrdreg $0x0  }
0xa6: {  	s4 =	sshll.u32 s25, $0x1;
	[dreg:$0x2] =	wrdreg s2  }
0xa7: {  	[dreg:$0x3] =	wrdreg s4  }
0xa8: {  	[dreg:$0x4] =	wrdreg $0xC0  }
0xa9: {  	_ =	task [dreg:s6], $0x5FFFF  }
0xaa: {  	[dreg:$0x1] =	wrdreg $0xFFFFFFFF  }
0xab: {  	[dreg:$0x0] =	wrdreg $0x60  }
0xac: {  	[dreg:$0x2] =	wrdreg s0  }
0xad: {  	[dreg:$0x3] =	wrdreg s22  }
0xae: {  	[dreg:$0x4] =	wrdreg s16  }
0xaf: {  	[dreg:$0x5] =	wrdreg $0x9  }
0xb0: {  	_ =	task.clear_ibuf [dreg:s6], $0x6FFFF;
	_ =	strace $0x90000049  }
0xb1: {  	s26 =	simm.s32 $0x9;
	_ =	strace $0x8000004B  }
0xb2: {  	_ =	swait.ge [sflag:s26], $0x1  }
0xb3: {  	[sflag:s26] =	ssyncadd.s32 $0xFFFFFFFF  }
0xb4: {  	_ =	strace $0x9000004B  }
0xb5: {  	_ =	sfence  }
0xb6: {  	s28 =	sld [smem:$0x0];
	_ =	sdelay $0x1  }
0xb7: {  	s29 =	srdreg.scid  }
0xb8: {  	s30 =	sshll.u32 s29, $0xD;
	s31 =	sshrl.u32 s29, $0x2  }
0xb9: {  	s1 =	sand.u32 $0x1, s29;
	s2 =	sand.u32 $0x4000, s30;
	s0 =	sadd.s32 s31, s28  }
0xba: {  	s1 =	sor.u32 s2, s1;
	s0 =	sshll.u32 s0, $0x11  }
0xbb: {  	s0 =	sor.u32 s0, s1  }
0xbc: {  	s0 =	sadd.s32 $0x8F2B, s0  }
0xbd: {  	[sflag:s0] =	ssyncadd.remote.s32 $0x1  }
0xbe: {  	_ =	sfence.sel $0xFFFF  }
0xbf: {  	[dreg:$0x0] =	wrdreg $0xFFFFFFFF;
	(pc) =	sbr.abs _section_cstart, $3  }
0xc0: {  	[dreg:$0x1] =	wrdreg $0xFFFFFFFF  }
0xc1: {  	_ =	task.clear_ibuf [dreg:s6], $0x2FFFF;
	_ =	strace $0x9FFFFFFF  }
0xc2: {  	(tm) =	ssettm $0x7FFFFFFF  }
0xc3: {  	_ =	shalt  }
tec
execute0_lowered:
.L_overlay_start_1:
0x0: {  	(tag) =	ssettag $0x1  }
0x1: {  	s0 =	stileid.u32  }
0x2: {  	s1 =	smin.u32 s0, $0x9  }
0x3: {  	s1 =	sadd.s32 s0, s1  }
0x4: {  	s2 =	simm.s32 $0x320;
	p0 =	slt.u32 s0, $0x9;
	s1 =	smul.u32 $0x190, s1  }
0x5: {  	s2 =	simm.s32 @!p0 $0x190  }
0x6: {  	s2 =	sadd.s32 s2, s1  }
0x7: {  	s3 =	smin.u32 s2, $0x2710  }
0x8: {  	s7 =	ssub.s32 s3, s1  }
0x9: {  	p0 =	sgt.s32 s7, $0x0  }
0xa: {  	s7 =	simm.s32 @!p0 $0x0  }
0xb: {  	s31 =	sand.u32 $0xFFF0, s7  }
0xc: {  	s4 =	rddreg [dreg:$0x0];
	s2 =	sshrl.u32 s31, $0x4  }
0xd: {  	s9 =	rddreg [dreg:$0x1];
	s2 =	smul.u32 $0xA3E, s2  }
0xe: {  	s5 =	rddreg [dreg:$0x2]  }
0xf: {  	s6 =	simm.s32 $0x1;
	s11 =	simm.s32 $0x3;
	s8 =	sshrl.u32 s2, $0x10  }
0x10: {  	s13 =	simm.s32 $0x0;
	s12 =	simm.s32 $0x0;
	s10 =	smul.u32 $0x190, s8  }
.Ltmp0:
0x11: {  	s9 =	sadd.s32 $0x1C00, s9;
	s2 =	rddreg [dreg:$0x3];
	(pc) =	sbr.rel .LBB2_1-.Ltmp0, $4  }
0x12: {  	_ =	strace $0x8000004A;
	p0 =	sne.s32 s7, s10;
	s10 =	simm.s32 $0x1  }
0x13: {  	[sflag:s6] =	ssyncpa.u1 $0x0;
	s7 =	simm.s32 $0x2;
	s10 =	simm.s32 @!p0 $0x0  }
0x14: {  	[sflag:s7] =	ssyncpa.u1 $0x0;
	p0 =	por $0x0, $0x0;
	s8 =	sadd.s32 s8, s10  }
0x15: {  	vm0 =	vmmov $0xff;
	vm1 =	vcmask $0x3F20;
	[sflag:s11] =	ssyncpa.u1 $0x0;
	s11 =	smov.u32 s1;
	s10 =	sadd.s32 $0x1, s8  }
.LBB2_6:
0x16: {  	[hbm:s17] =	stream.linear.scatter [tilespmem:s14], [sflag:$0x3], $0x400, $0x38;
	[tilespmem:$0x19320] =	vst v63  }
.LBB2_7:
0x17: {  	s13 =	sadd.s32 $0x190, s11  }
0x18: {  	s15 =	smov.u32 s1;
	p2 =	slt.s32 s13, s3  }
0x19: {  	s15 =	smov.u32 @p2 s13;
	p2 =	sne.s32 s12, s10  }
.Ltmp1:
0x1a: {  	p1 =	slt.u32 s12, $0x2;
	(pc) =	sbr.rel @!p2 .LBB2_8-.Ltmp1, $4  }
0x1b: {  	s14 =	simm.s32 @!p1 $0x3  }
0x1c: {  	s16 =	sadd.s32 $0x1, s12;
	_ =	swait.ge @!p1 [sflag:s14], $0xC800  }
0x1d: {  	p0 =	por !p0, !p0;
	s13 =	smov.u32 s11;
	[sflag:s14] =	ssyncset.done @!p1 $0x0  }
0x1e: {  	s12 =	smov.u32 s16;
	s11 =	smov.u32 s15;
	[sflag:s14] =	ssyncadd.s32 @!p1 $0xFFFF3800  }
.LBB2_1:
0x1f: {  	p1 =	sge.u32 s12, s8  }
0x20: {  	s14 =	sxor.u32 @!p1 $0xFFFFFFFF, s12  }
0x21: {  	s14 =	sand.u32 @!p1 $0x1, s14  }
0x22: {  	s14 =	smul.u32 @!p1 $0x640, s14  }
0x23: {  	s31 =	sadd.s32 $0xFFFFFFFF, s12;
	s15 =	sshrl.u32 @!p1 s11, $0x3  }
0x24: {  	s16 =	sand.u32 @!p1 $0x7, s11;
	s15 =	sadd.s32 @!p1 s9, s15;
	s14 =	sshrl.u32 @!p1 s14, $0x2  }
0x25: {  	[tilespmem:s14], [sflag:$0x2] =	stream.linear.gather @!p1 [hbm4b:s15+s16], $0x190, $0x38;
	[tilespmem:$0x19320] =	vst v63  }
0x26: {  	p1 =	sge.u32 s31, s8  }
.Ltmp2:
0x27: {  	_ = 	snop;
	(pc) =	sbr.rel @p1 .LBB2_7-.Ltmp2, $1  }
0x28: {  	_ =	sdelay $0x3  }
0x29: {  	s14 =	simm.s32 $0x1  }
0x2a: {  	s14 =	simm.s32 @!p0 $0x0  }
0x2b: {  	s15 =	smul.u32 $0x640, s14  }
0x2c: {  	_ =	swait.ge [sflag:s7], $0x190  }
0x2d: {  	[sflag:s7] =	ssyncset.done $0x0;
	s16 =	sshrl.u32 s15, $0x2  }
0x2e: {  	[sflag:s7] =	ssyncadd.s32 $0xFFFFFE70;
	s15 =	sadd.s32 $0x0, s16  }
0x2f: {  	v0 =	vld.msk [tilespmem:s15+$0x0 ss:$0x1], $0xffff;
	_ =	sdelay $0x4  }
0x30: {  	vm2 =	vgt.s32 v0, $0x0  }
0x31: {  	v0 =	vnsel vm2, $0x0, v0  }
0x32: {  	v0 =	vmin.u32 v0, $0x270F  }
0x33: {  	v0 =	vshll.u32 v0, $0x4  }
0x34: {  	s14 =	smul.u32 $0x32000, s14;
	_ =	sdelay $0x1  }
0x35: {  	s14 =	sshrl.u32 s14, $0x2  }
0x36: {  	s14 =	sor.u32 $0x320, s14  }
0x37: {  	[tilespmem:s14], [sflag:$0x1] =	stream.indirect_vreg.gather [hbm:s4], $0x80, v0, vm0, $0x38;
	[tilespmem:$0x19320] =	vst v63  }
0x38: {  	s17 =	sadd.s32 $0x10, s16;
	s15 =	sadd.s32 $0x400, s14  }
0x39: {  	[tilespmem:s15], [sflag:$0x1] =	stream.indirect_vreg.gather [hbm:s4], $0x80, v0, vm1, $0x38;
	[tilespmem:$0x19320] =	vst v63  }
0x3a: {  	s18 =	simm.s32 $0x80;
	v0 =	vld.msk [tilespmem:s17+$0x0 ss:$0x1], $0xffff;
	s17 =	smov.u32 s14  }
.LBB2_3:
0x3b: {  	p1 =	sne.s32 s18, $0x600;
	_ =	sdelay $0x4  }
0x3c: {  	vm2 =	vgt.s32 v0, $0x0  }
0x3d: {  	v0 =	vnsel vm2, $0x0, v0  }
0x3e: {  	v0 =	vmin.u32 v0, $0x270F  }
0x3f: {  	v0 =	vshll.u32 v0, $0x4;
	_ =	sdelay $0x3  }
.Ltmp3:
0x40: {  	s19 =	sshra.s32 s18, $0x2;
	s17 =	sadd.s32 $0x800, s17;
	(pc) =	sbr.rel @p1 .LBB2_3-.Ltmp3, $4  }
0x41: {  	[tilespmem:s17], [sflag:$0x1] =	stream.indirect_vreg.gather [hbm:s4], $0x80, v0, vm0, $0x38;
	[tilespmem:$0x19320] =	vst v63  }
0x42: {  	s19 =	sadd.s32 s19, s16;
	s20 =	sadd.s32 $0x400, s17  }
0x43: {  	[tilespmem:s20], [sflag:$0x1] =	stream.indirect_vreg.gather [hbm:s4], $0x80, v0, vm1, $0x38;
	[tilespmem:$0x19320] =	vst v63  }
0x44: {  	s18 =	sadd.s32 $0x40, s18;
	v0 =	vld.msk [tilespmem:s19+$0x0 ss:$0x1], $0xffff  }
0x45: {  	_ =	sdelay $0x3  }
0x46: {  	vm2 =	vgt.s32 v0, $0x0  }
0x47: {  	v0 =	vnsel vm2, $0x0, v0  }
0x48: {  	v0 =	vmin.u32 v0, $0x270F  }
0x49: {  	v0 =	vshll.u32 v0, $0x4;
	_ =	sdelay $0x3  }
0x4a: {  	s16 =	sadd.s32 $0x800, s17  }
0x4b: {  	[tilespmem:s16], [sflag:$0x1] =	stream.indirect_vreg.gather [hbm:s4], $0x80, v0, vm0, $0x38;
	[tilespmem:$0x19320] =	vst v63  }
0x4c: {  	s16 =	sadd.s32 $0x400, s16  }
0x4d: {  	[tilespmem:s16], [sflag:$0x1] =	stream.indirect_vreg.gather [hbm:s4], $0x80, v0, vm1, $0x38;
	[tilespmem:$0x19320] =	vst v63  }
0x4e: {  	s13 =	sshll.u32 s13, $0x4;
	_ =	swait.ge [sflag:s6], $0xC800  }
0x4f: {  	s13 =	sadd.s32 s13, s5;
	[sflag:s6] =	ssyncset.done $0x0  }
0x50: {  	s17 =	sadd.s32 $0x0, s13;
	s16 =	simm.s32 $0x80;
	[sflag:s6] =	ssyncadd.s32 $0xFFFF3800  }
.LBB2_5:
0x51: {  	[hbm:s17] =	stream.linear.scatter [tilespmem:s14], [sflag:$0x3], $0x400, $0x38;
	[tilespmem:$0x19320] =	vst v63  }
0x52: {  	s17 =	smov.u32 s16;
	s14 =	smov.u32 s15;
	p1 =	sne.s32 s16, $0x1880  }
.Ltmp4:
0x53: {  	s16 =	sadd.s32 $0x80, s16;
	(pc) =	sbr.rel @p1 .LBB2_5-.Ltmp4, $2  }
0x54: {  	_ =	sdelay $0x2  }
0x55: {  	s15 =	sadd.s32 $0x400, s15;
	s17 =	sadd.s32 s17, s13  }
.Ltmp5:
0x56: {  	_ = 	snop;
	(pc) =	sbr.rel .LBB2_6-.Ltmp5, $1  }
0x57: {  	_ =	sdelay $0x3  }
.LBB2_8:
0x58: {  	_ =	sfence.sel $0x180000  }
0x59: {  	s1 =	simm.s32 $0x2;
	[bflag:$0x0] =	sbarrier.arrive $0xFFFF  }
0x5a: {  	s30 =	simm.s32 $0x3;
	[sflag:s1] =	ssyncpa.u1 $0x1  }
0x5b: {  	s31 =	simm.s32 $0x1;
	[sflag:s30] =	ssyncpa.u1 $0x1  }
0x5c: {  	[sflag:s31] =	ssyncpa.u1 $0x1  }
0x5d: {  	p0 =	sne.s32 s0, $0x0;
	_ =	strace $0x9000004A  }
0x5e: {  	s0 =	sadd.s32 @!p0 $0x100000, s2;
	[bflag:$0x2] =	sbarrier.arrive $0xFFFF  }
0x5f: {  	[sflag:s0] =	ssyncadd.tile.s32 @!p0 $0x1;
	_ =	shalt  }
.Lfunc_end2:
_tile_overlayer_lowered:
.L_overlay_start_2:
0x60: {  	(tag) =	ssettag $0x2  }
0x61: {  	s0 =	rddreg [dreg:$0x0];
	s2 =	stileid.u32  }
0x62: {  	s1 =	rddreg [dreg:$0x1];
	p0 =	sne.s32 s2, $0x0  }
0x63: {  	s3 =	rddreg [dreg:$0x2];
	[bflag:$0x3] =	sbarrier.arrive $0xFFFF;
	s2 =	simm.s32 @!p0 $0x1C01  }
0x64: {  	[timem:s3], [sflag:s2] =	dma.local @!p0 [hbm:s0], s1  }
0x65: {  	s0 =	simm.s32 @!p0 $0x1  }
0x66: {  	_ =	swait.ge @!p0 [sflag:s0], s1  }
0x67: {  	s1 =	ssub.s32 @!p0 $0x0, s1;
	[sflag:s0] =	ssyncset.done @!p0 $0x0  }
0x68: {  	[sflag:s0] =	ssyncadd.s32 @!p0 s1  }
0x69: {  	[bflag:$0x3] =	sbarrier.arrive $0xFFFF  }
0x6a: {  	_ =	shalt  }

</sc_bundles>
